<compile_context>
chip_gen: v7x
topology: tpu7x:2x2x1
jax: 0.10.2.dev20260603
libtpu: 0.0.44.dev20260713+nightly
codegen_flags: <defaults>
</compile_context>

<pallas_src>
import functools

import jax
import jax.numpy as jnp
from jax import lax
from jax.experimental import pallas as pl
from jax.experimental.pallas import tpu as pltpu
from jax.experimental.pallas import tpu_sc as plsc

N = 10000
NPAD = 10240
E = 320000
K = 128
CH = 80
NW = 32
EPAD = NW * CH * K
NSC = 10016
RPT = NSC // 16
BURST = 1
NBURST = CH // BURST
DH = 64
BLK = 1024
NBLK = NPAD // BLK

_mesh = plsc.VectorSubcoreMesh(core_axis_name="c", subcore_axis_name="s")
_sc_params = pltpu.CompilerParams(use_tc_tiling_on_sc=False,
                                  internal_scratch_in_bytes=1 << 20)



@functools.partial(
    pl.kernel,
    out_type=jax.ShapeDtypeStruct((2, NPAD, 16), jnp.float32),
    mesh=_mesh,
    scratch_types=[
        pltpu.VMEM_SHARED((NSC, 16), jnp.float32),
        pltpu.VMEM((CH, K), jnp.int32),
        pltpu.VMEM((K, 16), jnp.float32),
    ],
    compiler_params=_sc_params,
)
def _sc_degree(dst_hbm, zeros_hbm, ones_hbm, out_hbm, acc_sh, dst_v, ones_v):
    c = lax.axis_index("c")
    s = lax.axis_index("s")
    wid = c * 16 + s
    pltpu.sync_copy(dst_hbm.at[wid], dst_v)
    pltpu.sync_copy(ones_hbm, ones_v)
    pltpu.sync_copy(zeros_hbm.at[pl.ds(s * RPT, RPT)],
                    acc_sh.at[pl.ds(s * RPT, RPT)])
    plsc.subcore_barrier()
    plsc.subcore_barrier()

    def body(j, carry):
        pltpu.sync_copy(ones_v, acc_sh.at[dst_v.at[j]], add=True)
        return carry

    lax.fori_loop(0, CH, body, 0)
    plsc.subcore_barrier()
    plsc.subcore_barrier()
    pltpu.sync_copy(acc_sh.at[pl.ds(s * RPT, RPT)],
                    out_hbm.at[c, pl.ds(s * RPT, RPT)])



@functools.partial(
    pl.kernel,
    out_type=jax.ShapeDtypeStruct((2, NPAD, DH), jnp.float32),
    mesh=_mesh,
    scratch_types=[
        pltpu.VMEM_SHARED((NSC, DH), jnp.float32),
        pltpu.VMEM_SHARED((NSC, DH), jnp.float32),
        pltpu.VMEM((CH, K), jnp.int32),
        pltpu.VMEM((CH, K), jnp.int32),
        pltpu.VMEM((BURST, K, DH), jnp.float32),
        pltpu.VMEM((BURST, K, DH), jnp.float32),
        pltpu.SemaphoreType.DMA,
        pltpu.SemaphoreType.DMA,
    ],
    compiler_params=_sc_params,
)
def _sc_scatter(g_hbm, src_hbm, dst_hbm, zeros_hbm, out_hbm,
                acc_sh, g_sh, src_v, dst_v, rows_a, rows_b, sem_a, sem_b):
    c = lax.axis_index("c")
    s = lax.axis_index("s")
    wid = c * 16 + s
    pltpu.sync_copy(src_hbm.at[wid], src_v)
    pltpu.sync_copy(dst_hbm.at[wid], dst_v)
    pltpu.sync_copy(zeros_hbm.at[pl.ds(s * RPT, RPT)],
                    acc_sh.at[pl.ds(s * RPT, RPT)])
    pltpu.sync_copy(g_hbm.at[pl.ds(s * RPT, RPT)],
                    g_sh.at[pl.ds(s * RPT, RPT)])
    plsc.subcore_barrier()
    plsc.subcore_barrier()

    def fire(burst, bufs, sem):
        for i in range(BURST):
            pltpu.async_copy(g_sh.at[src_v.at[burst * BURST + i]],
                             bufs.at[i], sem)

    def drain_scatter(burst, bufs, sem):
        for i in range(BURST):
            pltpu.make_async_copy(g_sh.at[src_v.at[burst * BURST + i]],
                                  bufs.at[i], sem).wait()
            pltpu.sync_copy(bufs.at[i],
                            acc_sh.at[dst_v.at[burst * BURST + i]], add=True)

    fire(0, rows_a, sem_a)

    def body(t, carry):
        b_a = 2 * t
        b_b = 2 * t + 1
        fire(b_b, rows_b, sem_b)
        drain_scatter(b_a, rows_a, sem_a)

        @pl.when(t < NBURST // 2 - 1)
        def _():
            fire(b_a + 2, rows_a, sem_a)

        drain_scatter(b_b, rows_b, sem_b)
        return carry

    lax.fori_loop(0, NBURST // 2, body, 0)
    plsc.subcore_barrier()
    plsc.subcore_barrier()
    pltpu.sync_copy(acc_sh.at[pl.ds(s * RPT, RPT)],
                    out_hbm.at[c, pl.ds(s * RPT, RPT)])



def _tc_matmul_body(x_ref, w_ref, h_ref):
    h_ref[...] = jnp.dot(x_ref[...], w_ref[...],
                         preferred_element_type=jnp.float32)


def _tc_matmul(x, w1):
    din = x.shape[1]
    return pl.pallas_call(
        _tc_matmul_body,
        grid=(NBLK,),
        in_specs=[
            pl.BlockSpec((BLK, din), lambda i: (i, 0)),
            pl.BlockSpec((din, DH), lambda i: (0, 0)),
        ],
        out_specs=pl.BlockSpec((BLK, DH), lambda i: (i, 0)),
        out_shape=jax.ShapeDtypeStruct((NPAD, DH), jnp.float32),
    )(x, w1)


def _tc_scale_body(deg0_ref, deg1_ref, h_ref, dinv_ref, g_ref):
    i = pl.program_id(0)
    deg = deg0_ref[:, 0:1] + deg1_ref[:, 0:1] + 1.0
    rows = lax.broadcasted_iota(jnp.int32, (BLK, 1), 0) + i * BLK
    dinv = jnp.where(rows < N, lax.rsqrt(deg), 0.0)
    dinv_ref[...] = dinv
    g_ref[...] = h_ref[...] * dinv


def _tc_scale(deg0, deg1, h):
    return pl.pallas_call(
        _tc_scale_body,
        grid=(NBLK,),
        in_specs=[
            pl.BlockSpec((BLK, 16), lambda i: (i, 0)),
            pl.BlockSpec((BLK, 16), lambda i: (i, 0)),
            pl.BlockSpec((BLK, DH), lambda i: (i, 0)),
        ],
        out_specs=[
            pl.BlockSpec((BLK, 1), lambda i: (i, 0)),
            pl.BlockSpec((BLK, DH), lambda i: (i, 0)),
        ],
        out_shape=[
            jax.ShapeDtypeStruct((NPAD, 1), jnp.float32),
            jax.ShapeDtypeStruct((NPAD, DH), jnp.float32),
        ],
    )(deg0, deg1, h)


def _tc_mid_body(s0_ref, s1_ref, g_ref, dinv_ref, b_ref, w_ref, gout_ref):
    dinv = dinv_ref[...]
    a = jnp.maximum(
        dinv * (s0_ref[...] + s1_ref[...] + g_ref[...]) + b_ref[...], 0.0)
    gout_ref[...] = jnp.dot(a, w_ref[...],
                            preferred_element_type=jnp.float32) * dinv


def _tc_mid(s0, s1, g, dinv, b, w2):
    return pl.pallas_call(
        _tc_mid_body,
        grid=(NBLK,),
        in_specs=[
            pl.BlockSpec((BLK, DH), lambda i: (i, 0)),
            pl.BlockSpec((BLK, DH), lambda i: (i, 0)),
            pl.BlockSpec((BLK, DH), lambda i: (i, 0)),
            pl.BlockSpec((BLK, 1), lambda i: (i, 0)),
            pl.BlockSpec((1, DH), lambda i: (0, 0)),
            pl.BlockSpec((DH, DH), lambda i: (0, 0)),
        ],
        out_specs=pl.BlockSpec((BLK, DH), lambda i: (i, 0)),
        out_shape=jax.ShapeDtypeStruct((NPAD, DH), jnp.float32),
    )(s0, s1, g, dinv, b, w2)


def _tc_fin_body(s0_ref, s1_ref, g_ref, dinv_ref, b_ref, w_ref, bf_ref,
                 out_ref):
    a = jnp.maximum(
        dinv_ref[...] * (s0_ref[...] + s1_ref[...] + g_ref[...]) + b_ref[...],
        0.0)
    out_ref[...] = jnp.dot(a, w_ref[...],
                           preferred_element_type=jnp.float32) + bf_ref[...]


def _tc_fin(s0, s1, g, dinv, b, wfc, bfc):
    dout = wfc.shape[1]
    blk = 1000
    return pl.pallas_call(
        _tc_fin_body,
        grid=(N // blk,),
        in_specs=[
            pl.BlockSpec((blk, DH), lambda i: (i, 0)),
            pl.BlockSpec((blk, DH), lambda i: (i, 0)),
            pl.BlockSpec((blk, DH), lambda i: (i, 0)),
            pl.BlockSpec((blk, 1), lambda i: (i, 0)),
            pl.BlockSpec((1, DH), lambda i: (0, 0)),
            pl.BlockSpec((DH, dout), lambda i: (0, 0)),
            pl.BlockSpec((1, dout), lambda i: (0, 0)),
        ],
        out_specs=pl.BlockSpec((blk, dout), lambda i: (i, 0)),
        out_shape=jax.ShapeDtypeStruct((N, dout), jnp.float32),
    )(s0, s1, g, dinv, b, wfc, bfc)



def kernel(x, edge_index, W1, b1, W2, b2, Wfc, bfc):
    src = edge_index[0].astype(jnp.int32)
    dst = edge_index[1].astype(jnp.int32)
    pad = jnp.full((EPAD - E,), N, dtype=jnp.int32)
    srcp = jnp.concatenate([src, pad]).reshape(NW, CH, K)
    dstp = jnp.concatenate([dst, pad]).reshape(NW, CH, K)
    xpad = jnp.pad(x, ((0, NPAD - N), (0, 0)))
    zeros16 = jnp.zeros((NPAD, 16), jnp.float32)
    zeros64 = jnp.zeros((NPAD, DH), jnp.float32)
    ones16 = jnp.ones((K, 16), jnp.float32)
    b1r = b1.reshape(1, DH)
    b2r = b2.reshape(1, DH)
    bfcr = bfc.reshape(1, -1)

    degp = _sc_degree(dstp, zeros16, ones16)
    h1 = _tc_matmul(xpad, W1)
    dinv, g1 = _tc_scale(degp[0], degp[1], h1)
    s1 = _sc_scatter(g1, srcp, dstp, zeros64)
    g2 = _tc_mid(s1[0], s1[1], g1, dinv, b1r, W2)
    s2 = _sc_scatter(g2, srcp, dstp, zeros64)
    return _tc_fin(s2[0], s2[1], g2, dinv, b2r, Wfc, bfcr)

# --- scband reference (transcript-rebuilt; emitter-appended) ---
"""Pipeline reference for scband-gnnmodel-85684597555638 (READ-ONLY COPY).

The authoritative reference and input builder live on the scoring server;
editing this copy changes nothing except your own understanding.
"""

import jax, jax.numpy as jnp
import numpy as np


def _gcn_conv(x, edge_index, W, b):
    n_nodes = x.shape[0]
    src = edge_index[0]
    dst = edge_index[1]
    loop = jnp.arange(n_nodes, dtype=src.dtype)
    src = jnp.concatenate([src, loop])
    dst = jnp.concatenate([dst, loop])
    # linear transform first (PyG GCNConv applies lin before propagate)
    h = x @ W
    # symmetric normalization D^{-1/2} (A+I) D^{-1/2}
    ones = jnp.ones(dst.shape[0], dtype=x.dtype)
    deg = jax.ops.segment_sum(ones, dst, num_segments=n_nodes)
    dinv = jnp.where(deg > 0, 1.0 / jnp.sqrt(deg), 0.0)
    norm = dinv[src] * dinv[dst]
    msg = h[src] * norm[:, None]
    out = jnp.zeros((n_nodes, W.shape[1]), dtype=x.dtype).at[dst].add(msg)
    return out + b


def setup_inputs(seed: int = 0) -> dict:
    key = jax.random.key(seed)
    ks = jax.random.split(key, 8)
    n_nodes, n_edges, d_in, d_hid, d_out = 10000, 320000, 128, 64, 4
    x = jax.random.normal(ks[0], (n_nodes, d_in), dtype=jnp.float32)
    edge_index = jax.random.randint(ks[1], (2, n_edges), 0, n_nodes, dtype=jnp.int64)
    W1 = jax.random.normal(ks[2], (d_in, d_hid), dtype=jnp.float32) * 0.05
    b1 = jnp.zeros((d_hid,), dtype=jnp.float32)
    W2 = jax.random.normal(ks[3], (d_hid, d_hid), dtype=jnp.float32) * 0.05
    b2 = jnp.zeros((d_hid,), dtype=jnp.float32)
    Wfc = jax.random.normal(ks[4], (d_hid, d_out), dtype=jnp.float32) * 0.05
    bfc = jnp.zeros((d_out,), dtype=jnp.float32)
    return {"x": x, "edge_index": edge_index, "W1": W1, "b1": b1, "W2": W2, "b2": b2, "Wfc": Wfc, "bfc": bfc}


def reference(x, edge_index, W1, b1, W2, b2, Wfc, bfc):
    h = _gcn_conv(x, edge_index, W1, b1)
    h = jax.nn.relu(h)
    # dropout is identity in eval mode
    h = _gcn_conv(h, edge_index, W2, b2)
    h = jax.nn.relu(h)
    return h @ Wfc + bfc

if __name__ == "__main__":
    import jax
    _d = setup_inputs()
    print(jax.jit(kernel)(*tuple(_d.values())))

</pallas_src>

<mosaic_0001>
#map = affine_map<(d0, d1) -> (0, 0)>
#map1 = affine_map<(d0, d1) -> (0, 0, 0)>
module attributes {stable_mosaic.version = 14 : i64} {
  func.func @_sc_scatter(%arg0: i32, %arg1: i32, %arg2: memref<10240x64xf32, #tpu.memory_space<hbm>>, %arg3: memref<32x80x128xi32, #tpu.memory_space<hbm>>, %arg4: memref<32x80x128xi32, #tpu.memory_space<hbm>>, %arg5: memref<10240x64xf32, #tpu.memory_space<hbm>>, %arg6: memref<2x10240x64xf32, #tpu.memory_space<hbm>>, %arg7: memref<10016x64xf32, #tpu.memory_space<vmem_shared>>, %arg8: memref<10016x64xf32, #tpu.memory_space<vmem_shared>>, %arg9: memref<80x128xi32, #tpu.memory_space<vmem>>, %arg10: memref<80x128xi32, #tpu.memory_space<vmem>>, %arg11: memref<1x128x64xf32, #tpu.memory_space<vmem>>, %arg12: memref<1x128x64xf32, #tpu.memory_space<vmem>>, %arg13: memref<!tpu.dma_semaphore, #tpu.memory_space<semaphore_mem>>, %arg14: memref<!tpu.dma_semaphore, #tpu.memory_space<semaphore_mem>>) attributes {dimension_semantics = [#tpu.dimension_semantics<core_parallel>, #tpu.dimension_semantics<subcore_parallel>], iteration_bounds = array<i64: 2, 16>, scalar_prefetch = 0 : i64, scratch_operands = 8 : i64, tpu.core_type = #tpu.core_type<sc_vector_subcore>, window_params = [{transform_indices = #map}, {transform_indices = #map1}, {transform_indices = #map1}, {transform_indices = #map}, {transform_indices = #map1}]} {
    %mul3A = arith.constant 16 : i32
    %mul3A_0 = arith.muli %arg0, %mul3A : i32
    %add3A = arith.addi %mul3A_0, %arg1 : i32
    "tpu.region"() ({
      %run_scoped3A = tpu.sem_alloc : memref<!tpu.dma_semaphore, #tpu.memory_space<semaphore_mem>>
      %dma_start3A_32 = arith.constant 0 : i32
      %dma_start3A_33 = arith.constant 0 : i32
      %dma_start3A_34 = tpu.memref_slice %arg3[%add3A, %dma_start3A_32, %dma_start3A_33] : memref<32x80x128xi32, #tpu.memory_space<hbm>> -> memref<1x80x128xi32, #tpu.memory_space<hbm>>
      %dma_start3A_35 = tpu.memref_squeeze %dma_start3A_34 : memref<1x80x128xi32, #tpu.memory_space<hbm>> -> memref<80x128xi32, #tpu.memory_space<hbm>>
      %dma_start3A_36 = arith.constant 0 : i32
      %dma_start3A_37 = arith.constant 0 : i32
      %dma_start3A_38 = tpu.memref_slice %arg3[%add3A, %dma_start3A_36, %dma_start3A_37] : memref<32x80x128xi32, #tpu.memory_space<hbm>> -> memref<1x80x128xi32, #tpu.memory_space<hbm>>
      %dma_start3A_39 = tpu.memref_squeeze %dma_start3A_38 : memref<1x80x128xi32, #tpu.memory_space<hbm>> -> memref<80x128xi32, #tpu.memory_space<hbm>>
      tpu.enqueue_dma source(%dma_start3A_39 : memref<80x128xi32, #tpu.memory_space<hbm>>) target(%arg9 : memref<80x128xi32, #tpu.memory_space<vmem>>) target_semaphore(%run_scoped3A : memref<!tpu.dma_semaphore, #tpu.memory_space<semaphore_mem>>)
      %dma_wait3A = arith.constant 0 : i32
      %dma_wait3A_40 = arith.constant 0 : i32
      %dma_wait3A_41 = tpu.memref_slice %arg3[%add3A, %dma_wait3A, %dma_wait3A_40] : memref<32x80x128xi32, #tpu.memory_space<hbm>> -> memref<1x80x128xi32, #tpu.memory_space<hbm>>
      %dma_wait3A_42 = tpu.memref_squeeze %dma_wait3A_41 : memref<1x80x128xi32, #tpu.memory_space<hbm>> -> memref<80x128xi32, #tpu.memory_space<hbm>>
      %dma_wait3A_43 = arith.constant 0 : i32
      %dma_wait3A_44 = arith.constant 0 : i32
      %dma_wait3A_45 = tpu.memref_slice %arg3[%add3A, %dma_wait3A_43, %dma_wait3A_44] : memref<32x80x128xi32, #tpu.memory_space<hbm>> -> memref<1x80x128xi32, #tpu.memory_space<hbm>>
      %dma_wait3A_46 = tpu.memref_squeeze %dma_wait3A_45 : memref<1x80x128xi32, #tpu.memory_space<hbm>> -> memref<80x128xi32, #tpu.memory_space<hbm>>
      tpu.wait_dma2 semaphore(%run_scoped3A : memref<!tpu.dma_semaphore, #tpu.memory_space<semaphore_mem>>) src(%dma_wait3A_46 : memref<80x128xi32, #tpu.memory_space<hbm>>) dst(%arg9 : memref<80x128xi32, #tpu.memory_space<vmem>>)
      tpu.yield
    }) : () -> ()
    "tpu.region"() ({
      %run_scoped3A = tpu.sem_alloc : memref<!tpu.dma_semaphore, #tpu.memory_space<semaphore_mem>>
      %dma_start3A_32 = arith.constant 0 : i32
      %dma_start3A_33 = arith.constant 0 : i32
      %dma_start3A_34 = tpu.memref_slice %arg4[%add3A, %dma_start3A_32, %dma_start3A_33] : memref<32x80x128xi32, #tpu.memory_space<hbm>> -> memref<1x80x128xi32, #tpu.memory_space<hbm>>
      %dma_start3A_35 = tpu.memref_squeeze %dma_start3A_34 : memref<1x80x128xi32, #tpu.memory_space<hbm>> -> memref<80x128xi32, #tpu.memory_space<hbm>>
      %dma_start3A_36 = arith.constant 0 : i32
      %dma_start3A_37 = arith.constant 0 : i32
      %dma_start3A_38 = tpu.memref_slice %arg4[%add3A, %dma_start3A_36, %dma_start3A_37] : memref<32x80x128xi32, #tpu.memory_space<hbm>> -> memref<1x80x128xi32, #tpu.memory_space<hbm>>
      %dma_start3A_39 = tpu.memref_squeeze %dma_start3A_38 : memref<1x80x128xi32, #tpu.memory_space<hbm>> -> memref<80x128xi32, #tpu.memory_space<hbm>>
      tpu.enqueue_dma source(%dma_start3A_39 : memref<80x128xi32, #tpu.memory_space<hbm>>) target(%arg10 : memref<80x128xi32, #tpu.memory_space<vmem>>) target_semaphore(%run_scoped3A : memref<!tpu.dma_semaphore, #tpu.memory_space<semaphore_mem>>)
      %dma_wait3A = arith.constant 0 : i32
      %dma_wait3A_40 = arith.constant 0 : i32
      %dma_wait3A_41 = tpu.memref_slice %arg4[%add3A, %dma_wait3A, %dma_wait3A_40] : memref<32x80x128xi32, #tpu.memory_space<hbm>> -> memref<1x80x128xi32, #tpu.memory_space<hbm>>
      %dma_wait3A_42 = tpu.memref_squeeze %dma_wait3A_41 : memref<1x80x128xi32, #tpu.memory_space<hbm>> -> memref<80x128xi32, #tpu.memory_space<hbm>>
      %dma_wait3A_43 = arith.constant 0 : i32
      %dma_wait3A_44 = arith.constant 0 : i32
      %dma_wait3A_45 = tpu.memref_slice %arg4[%add3A, %dma_wait3A_43, %dma_wait3A_44] : memref<32x80x128xi32, #tpu.memory_space<hbm>> -> memref<1x80x128xi32, #tpu.memory_space<hbm>>
      %dma_wait3A_46 = tpu.memref_squeeze %dma_wait3A_45 : memref<1x80x128xi32, #tpu.memory_space<hbm>> -> memref<80x128xi32, #tpu.memory_space<hbm>>
      tpu.wait_dma2 semaphore(%run_scoped3A : memref<!tpu.dma_semaphore, #tpu.memory_space<semaphore_mem>>) src(%dma_wait3A_46 : memref<80x128xi32, #tpu.memory_space<hbm>>) dst(%arg10 : memref<80x128xi32, #tpu.memory_space<vmem>>)
      tpu.yield
    }) : () -> ()
    %mul3A_1 = arith.constant 626 : i32
    %mul3A_2 = arith.muli %arg1, %mul3A_1 : i32
    %mul3A_3 = arith.constant 626 : i32
    %mul3A_4 = arith.muli %arg1, %mul3A_3 : i32
    "tpu.region"() ({
      %run_scoped3A = tpu.sem_alloc : memref<!tpu.dma_semaphore, #tpu.memory_space<semaphore_mem>>
      %dma_start3A_32 = arith.constant 0 : i32
      %dma_start3A_33 = tpu.memref_slice %arg7[%mul3A_4, %dma_start3A_32] : memref<10016x64xf32, #tpu.memory_space<vmem_shared>> -> memref<626x64xf32, #tpu.memory_space<vmem_shared>>
      %dma_start3A_34 = arith.constant 0 : i32
      %dma_start3A_35 = tpu.memref_slice %arg5[%mul3A_2, %dma_start3A_34] : memref<10240x64xf32, #tpu.memory_space<hbm>> -> memref<626x64xf32, #tpu.memory_space<hbm>>
      tpu.enqueue_dma source(%dma_start3A_35 : memref<626x64xf32, #tpu.memory_space<hbm>>) target(%dma_start3A_33 : memref<626x64xf32, #tpu.memory_space<vmem_shared>>) target_semaphore(%run_scoped3A : memref<!tpu.dma_semaphore, #tpu.memory_space<semaphore_mem>>)
      %dma_wait3A = arith.constant 0 : i32
      %dma_wait3A_36 = tpu.memref_slice %arg7[%mul3A_4, %dma_wait3A] : memref<10016x64xf32, #tpu.memory_space<vmem_shared>> -> memref<626x64xf32, #tpu.memory_space<vmem_shared>>
      %dma_wait3A_37 = arith.constant 0 : i32
      %dma_wait3A_38 = tpu.memref_slice %arg5[%mul3A_2, %dma_wait3A_37] : memref<10240x64xf32, #tpu.memory_space<hbm>> -> memref<626x64xf32, #tpu.memory_space<hbm>>
      tpu.wait_dma2 semaphore(%run_scoped3A : memref<!tpu.dma_semaphore, #tpu.memory_space<semaphore_mem>>) src(%dma_wait3A_38 : memref<626x64xf32, #tpu.memory_space<hbm>>) dst(%dma_wait3A_36 : memref<626x64xf32, #tpu.memory_space<vmem_shared>>)
      tpu.yield
    }) : () -> ()
    %mul3A_5 = arith.constant 626 : i32
    %mul3A_6 = arith.muli %arg1, %mul3A_5 : i32
    %mul3A_7 = arith.constant 626 : i32
    %mul3A_8 = arith.muli %arg1, %mul3A_7 : i32
    "tpu.region"() ({
      %run_scoped3A = tpu.sem_alloc : memref<!tpu.dma_semaphore, #tpu.memory_space<semaphore_mem>>
      %dma_start3A_32 = arith.constant 0 : i32
      %dma_start3A_33 = tpu.memref_slice %arg8[%mul3A_8, %dma_start3A_32] : memref<10016x64xf32, #tpu.memory_space<vmem_shared>> -> memref<626x64xf32, #tpu.memory_space<vmem_shared>>
      %dma_start3A_34 = arith.constant 0 : i32
      %dma_start3A_35 = tpu.memref_slice %arg2[%mul3A_6, %dma_start3A_34] : memref<10240x64xf32, #tpu.memory_space<hbm>> -> memref<626x64xf32, #tpu.memory_space<hbm>>
      tpu.enqueue_dma source(%dma_start3A_35 : memref<626x64xf32, #tpu.memory_space<hbm>>) target(%dma_start3A_33 : memref<626x64xf32, #tpu.memory_space<vmem_shared>>) target_semaphore(%run_scoped3A : memref<!tpu.dma_semaphore, #tpu.memory_space<semaphore_mem>>)
      %dma_wait3A = arith.constant 0 : i32
      %dma_wait3A_36 = tpu.memref_slice %arg8[%mul3A_8, %dma_wait3A] : memref<10016x64xf32, #tpu.memory_space<vmem_shared>> -> memref<626x64xf32, #tpu.memory_space<vmem_shared>>
      %dma_wait3A_37 = arith.constant 0 : i32
      %dma_wait3A_38 = tpu.memref_slice %arg2[%mul3A_6, %dma_wait3A_37] : memref<10240x64xf32, #tpu.memory_space<hbm>> -> memref<626x64xf32, #tpu.memory_space<hbm>>
      tpu.wait_dma2 semaphore(%run_scoped3A : memref<!tpu.dma_semaphore, #tpu.memory_space<semaphore_mem>>) src(%dma_wait3A_38 : memref<626x64xf32, #tpu.memory_space<hbm>>) dst(%dma_wait3A_36 : memref<626x64xf32, #tpu.memory_space<vmem_shared>>)
      tpu.yield
    }) : () -> ()
    %barrier3A = arith.constant 0 : index
    tpu.barrier barrier_id(%barrier3A)
    %barrier3A_9 = arith.constant 0 : index
    tpu.barrier barrier_id(%barrier3A_9)
    %dma_start3A = arith.constant 0 : i32
    %dma_start3A_10 = arith.constant 0 : i32
    %dma_start3A_11 = arith.constant 0 : i32
    %dma_start3A_12 = arith.constant 0 : i32
    %dma_start3A_13 = tpu.memref_slice %arg11[%dma_start3A_10, %dma_start3A_11, %dma_start3A_12] : memref<1x128x64xf32, #tpu.memory_space<vmem>> -> memref<1x128x64xf32, #tpu.memory_space<vmem>>
    %dma_start3A_14 = tpu.memref_squeeze %dma_start3A_13 : memref<1x128x64xf32, #tpu.memory_space<vmem>> -> memref<128x64xf32, #tpu.memory_space<vmem>>
    %dma_start3A_15 = arith.constant 0 : i32
    %dma_start3A_16 = tpu.memref_slice %arg9[%dma_start3A, %dma_start3A_15] : memref<80x128xi32, #tpu.memory_space<vmem>> -> memref<1x128xi32, #tpu.memory_space<vmem>>
    %dma_start3A_17 = tpu.memref_squeeze %dma_start3A_16 : memref<1x128xi32, #tpu.memory_space<vmem>> -> memref<128xi32, #tpu.memory_space<vmem>>
    %dma_start3A_18 = arith.constant 0 : i32
    %dma_start3A_19 = arith.constant 0 : i32
    %dma_start3A_20 = tpu.memref_slice %arg8[%dma_start3A_18, %dma_start3A_19] : memref<10016x64xf32, #tpu.memory_space<vmem_shared>> -> memref<10016x64xf32, #tpu.memory_space<vmem_shared>>
    tpu.enqueue_indirect_dma source(%dma_start3A_20 : memref<10016x64xf32, #tpu.memory_space<vmem_shared>>) target(%dma_start3A_14 : memref<128x64xf32, #tpu.memory_space<vmem>>) offsets(%dma_start3A_17 : memref<128xi32, #tpu.memory_space<vmem>>) semaphore(%arg13 : memref<!tpu.dma_semaphore, #tpu.memory_space<semaphore_mem>>)
    %scan3A = arith.constant 0 : i32
    %scan3A_21 = arith.constant 0 : i32
    %scan3A_22 = arith.constant 40 : i32
    %scan3A_23 = arith.addi %scan3A_21, %scan3A_22 : i32
    %scan3A_24 = arith.constant 1 : i32
    scf.for %scan3A_32 = %scan3A_21 to %scan3A_23 step %scan3A_24  : i32 {
      %mul3A_33 = arith.constant 2 : i32
      %mul3A_34 = arith.muli %mul3A_33, %scan3A_32 : i32
      %mul3A_35 = arith.constant 2 : i32
      %mul3A_36 = arith.muli %mul3A_35, %scan3A_32 : i32
      %add3A_37 = arith.constant 1 : i32
      %add3A_38 = arith.addi %mul3A_36, %add3A_37 : i32
      %mul3A_39 = arith.constant 1 : i32
      %mul3A_40 = arith.muli %add3A_38, %mul3A_39 : i32
      %add3A_41 = arith.constant 0 : i32
      %add3A_42 = arith.addi %mul3A_40, %add3A_41 : i32
      %dma_start3A_43 = arith.constant 0 : i32
      %dma_start3A_44 = arith.constant 0 : i32
      %dma_start3A_45 = arith.constant 0 : i32
      %dma_start3A_46 = tpu.memref_slice %arg12[%dma_start3A_43, %dma_start3A_44, %dma_start3A_45] : memref<1x128x64xf32, #tpu.memory_space<vmem>> -> memref<1x128x64xf32, #tpu.memory_space<vmem>>
      %dma_start3A_47 = tpu.memref_squeeze %dma_start3A_46 : memref<1x128x64xf32, #tpu.memory_space<vmem>> -> memref<128x64xf32, #tpu.memory_space<vmem>>
      %dma_start3A_48 = arith.constant 0 : i32
      %dma_start3A_49 = tpu.memref_slice %arg9[%add3A_42, %dma_start3A_48] : memref<80x128xi32, #tpu.memory_space<vmem>> -> memref<1x128xi32, #tpu.memory_space<vmem>>
      %dma_start3A_50 = tpu.memref_squeeze %dma_start3A_49 : memref<1x128xi32, #tpu.memory_space<vmem>> -> memref<128xi32, #tpu.memory_space<vmem>>
      %dma_start3A_51 = arith.constant 0 : i32
      %dma_start3A_52 = arith.constant 0 : i32
      %dma_start3A_53 = tpu.memref_slice %arg8[%dma_start3A_51, %dma_start3A_52] : memref<10016x64xf32, #tpu.memory_space<vmem_shared>> -> memref<10016x64xf32, #tpu.memory_space<vmem_shared>>
      tpu.enqueue_indirect_dma source(%dma_start3A_53 : memref<10016x64xf32, #tpu.memory_space<vmem_shared>>) target(%dma_start3A_47 : memref<128x64xf32, #tpu.memory_space<vmem>>) offsets(%dma_start3A_50 : memref<128xi32, #tpu.memory_space<vmem>>) semaphore(%arg14 : memref<!tpu.dma_semaphore, #tpu.memory_space<semaphore_mem>>)
      %mul3A_54 = arith.constant 1 : i32
      %mul3A_55 = arith.muli %mul3A_34, %mul3A_54 : i32
      %add3A_56 = arith.constant 0 : i32
      %add3A_57 = arith.addi %mul3A_55, %add3A_56 : i32
      %dma_wait3A = arith.constant 0 : i32
      %dma_wait3A_58 = arith.constant 0 : i32
      %dma_wait3A_59 = arith.constant 0 : i32
      %dma_wait3A_60 = tpu.memref_slice %arg11[%dma_wait3A, %dma_wait3A_58, %dma_wait3A_59] : memref<1x128x64xf32, #tpu.memory_space<vmem>> -> memref<1x128x64xf32, #tpu.memory_space<vmem>>
      %dma_wait3A_61 = tpu.memref_squeeze %dma_wait3A_60 : memref<1x128x64xf32, #tpu.memory_space<vmem>> -> memref<128x64xf32, #tpu.memory_space<vmem>>
      %dma_wait3A_62 = arith.constant 0 : i32
      %dma_wait3A_63 = tpu.memref_slice %arg9[%add3A_57, %dma_wait3A_62] : memref<80x128xi32, #tpu.memory_space<vmem>> -> memref<1x128xi32, #tpu.memory_space<vmem>>
      %dma_wait3A_64 = tpu.memref_squeeze %dma_wait3A_63 : memref<1x128xi32, #tpu.memory_space<vmem>> -> memref<128xi32, #tpu.memory_space<vmem>>
      %dma_wait3A_65 = arith.constant 0 : i32
      %dma_wait3A_66 = arith.constant 0 : i32
      %dma_wait3A_67 = tpu.memref_slice %arg8[%dma_wait3A_65, %dma_wait3A_66] : memref<10016x64xf32, #tpu.memory_space<vmem_shared>> -> memref<10016x64xf32, #tpu.memory_space<vmem_shared>>
      tpu.wait_indirect_dma semaphore(%arg13 : memref<!tpu.dma_semaphore, #tpu.memory_space<semaphore_mem>>) src(%dma_wait3A_67 : memref<10016x64xf32, #tpu.memory_space<vmem_shared>>) dst(%dma_wait3A_61 : memref<128x64xf32, #tpu.memory_space<vmem>>)
      %mul3A_68 = arith.constant 1 : i32
      %mul3A_69 = arith.muli %mul3A_34, %mul3A_68 : i32
      %add3A_70 = arith.constant 0 : i32
      %add3A_71 = arith.addi %mul3A_69, %add3A_70 : i32
      %run_scoped3A = arith.constant 0 : i32
      "tpu.region"() ({
        %run_scoped3A_94 = tpu.sem_alloc : memref<!tpu.dma_semaphore, #tpu.memory_space<semaphore_mem>>
        %dma_start3A_95 = arith.constant 0 : i32
        %dma_start3A_96 = arith.constant 0 : i32
        %dma_start3A_97 = tpu.memref_slice %arg11[%run_scoped3A, %dma_start3A_95, %dma_start3A_96] : memref<1x128x64xf32, #tpu.memory_space<vmem>> -> memref<1x128x64xf32, #tpu.memory_space<vmem>>
        %dma_start3A_98 = tpu.memref_squeeze %dma_start3A_97 : memref<1x128x64xf32, #tpu.memory_space<vmem>> -> memref<128x64xf32, #tpu.memory_space<vmem>>
        %dma_start3A_99 = arith.constant 0 : i32
        %dma_start3A_100 = tpu.memref_slice %arg10[%add3A_71, %dma_start3A_99] : memref<80x128xi32, #tpu.memory_space<vmem>> -> memref<1x128xi32, #tpu.memory_space<vmem>>
        %dma_start3A_101 = tpu.memref_squeeze %dma_start3A_100 : memref<1x128xi32, #tpu.memory_space<vmem>> -> memref<128xi32, #tpu.memory_space<vmem>>
        %dma_start3A_102 = arith.constant 0 : i32
        %dma_start3A_103 = arith.constant 0 : i32
        %dma_start3A_104 = tpu.memref_slice %arg7[%dma_start3A_102, %dma_start3A_103] : memref<10016x64xf32, #tpu.memory_space<vmem_shared>> -> memref<10016x64xf32, #tpu.memory_space<vmem_shared>>
        tpu.enqueue_indirect_dma source(%dma_start3A_98 : memref<128x64xf32, #tpu.memory_space<vmem>>) target(%dma_start3A_104 : memref<10016x64xf32, #tpu.memory_space<vmem_shared>>) offsets(%dma_start3A_101 : memref<128xi32, #tpu.memory_space<vmem>>) semaphore(%run_scoped3A_94 : memref<!tpu.dma_semaphore, #tpu.memory_space<semaphore_mem>>) {add = true}
        %dma_wait3A_105 = arith.constant 0 : i32
        %dma_wait3A_106 = arith.constant 0 : i32
        %dma_wait3A_107 = tpu.memref_slice %arg11[%run_scoped3A, %dma_wait3A_105, %dma_wait3A_106] : memref<1x128x64xf32, #tpu.memory_space<vmem>> -> memref<1x128x64xf32, #tpu.memory_space<vmem>>
        %dma_wait3A_108 = tpu.memref_squeeze %dma_wait3A_107 : memref<1x128x64xf32, #tpu.memory_space<vmem>> -> memref<128x64xf32, #tpu.memory_space<vmem>>
        %dma_wait3A_109 = arith.constant 0 : i32
        %dma_wait3A_110 = tpu.memref_slice %arg10[%add3A_71, %dma_wait3A_109] : memref<80x128xi32, #tpu.memory_space<vmem>> -> memref<1x128xi32, #tpu.memory_space<vmem>>
        %dma_wait3A_111 = tpu.memref_squeeze %dma_wait3A_110 : memref<1x128xi32, #tpu.memory_space<vmem>> -> memref<128xi32, #tpu.memory_space<vmem>>
        %dma_wait3A_112 = arith.constant 0 : i32
        %dma_wait3A_113 = arith.constant 0 : i32
        %dma_wait3A_114 = tpu.memref_slice %arg7[%dma_wait3A_112, %dma_wait3A_113] : memref<10016x64xf32, #tpu.memory_space<vmem_shared>> -> memref<10016x64xf32, #tpu.memory_space<vmem_shared>>
        tpu.wait_indirect_dma semaphore(%run_scoped3A_94 : memref<!tpu.dma_semaphore, #tpu.memory_space<semaphore_mem>>) src(%dma_wait3A_108 : memref<128x64xf32, #tpu.memory_space<vmem>>) dst(%dma_wait3A_114 : memref<10016x64xf32, #tpu.memory_space<vmem_shared>>)
        tpu.yield
      }) : () -> ()
      %lt3A = arith.constant 39 : i32
      %lt3A_72 = arith.cmpi slt, %scan3A_32, %lt3A : i32
      %convert_element_type3A = arith.extui %lt3A_72 : i1 to i32
      %cond3A = arith.constant 0 : i32
      %cond3A_73 = arith.cmpi ne, %convert_element_type3A, %cond3A : i32
      scf.if %cond3A_73 {
        %add3A_94 = arith.constant 2 : i32
        %add3A_95 = arith.addi %mul3A_34, %add3A_94 : i32
        %mul3A_96 = arith.constant 1 : i32
        %mul3A_97 = arith.muli %add3A_95, %mul3A_96 : i32
        %add3A_98 = arith.constant 0 : i32
        %add3A_99 = arith.addi %mul3A_97, %add3A_98 : i32
        %dma_start3A_100 = arith.constant 0 : i32
        %dma_start3A_101 = arith.constant 0 : i32
        %dma_start3A_102 = arith.constant 0 : i32
        %dma_start3A_103 = tpu.memref_slice %arg11[%dma_start3A_100, %dma_start3A_101, %dma_start3A_102] : memref<1x128x64xf32, #tpu.memory_space<vmem>> -> memref<1x128x64xf32, #tpu.memory_space<vmem>>
        %dma_start3A_104 = tpu.memref_squeeze %dma_start3A_103 : memref<1x128x64xf32, #tpu.memory_space<vmem>> -> memref<128x64xf32, #tpu.memory_space<vmem>>
        %dma_start3A_105 = arith.constant 0 : i32
        %dma_start3A_106 = tpu.memref_slice %arg9[%add3A_99, %dma_start3A_105] : memref<80x128xi32, #tpu.memory_space<vmem>> -> memref<1x128xi32, #tpu.memory_space<vmem>>
        %dma_start3A_107 = tpu.memref_squeeze %dma_start3A_106 : memref<1x128xi32, #tpu.memory_space<vmem>> -> memref<128xi32, #tpu.memory_space<vmem>>
        %dma_start3A_108 = arith.constant 0 : i32
        %dma_start3A_109 = arith.constant 0 : i32
        %dma_start3A_110 = tpu.memref_slice %arg8[%dma_start3A_108, %dma_start3A_109] : memref<10016x64xf32, #tpu.memory_space<vmem_shared>> -> memref<10016x64xf32, #tpu.memory_space<vmem_shared>>
        tpu.enqueue_indirect_dma source(%dma_start3A_110 : memref<10016x64xf32, #tpu.memory_space<vmem_shared>>) target(%dma_start3A_104 : memref<128x64xf32, #tpu.memory_space<vmem>>) offsets(%dma_start3A_107 : memref<128xi32, #tpu.memory_space<vmem>>) semaphore(%arg13 : memref<!tpu.dma_semaphore, #tpu.memory_space<semaphore_mem>>)
      } else {
      }
      %mul3A_74 = arith.constant 1 : i32
      %mul3A_75 = arith.muli %add3A_38, %mul3A_74 : i32
      %add3A_76 = arith.constant 0 : i32
      %add3A_77 = arith.addi %mul3A_75, %add3A_76 : i32
      %dma_wait3A_78 = arith.constant 0 : i32
      %dma_wait3A_79 = arith.constant 0 : i32
      %dma_wait3A_80 = arith.constant 0 : i32
      %dma_wait3A_81 = tpu.memref_slice %arg12[%dma_wait3A_78, %dma_wait3A_79, %dma_wait3A_80] : memref<1x128x64xf32, #tpu.memory_space<vmem>> -> memref<1x128x64xf32, #tpu.memory_space<vmem>>
      %dma_wait3A_82 = tpu.memref_squeeze %dma_wait3A_81 : memref<1x128x64xf32, #tpu.memory_space<vmem>> -> memref<128x64xf32, #tpu.memory_space<vmem>>
      %dma_wait3A_83 = arith.constant 0 : i32
      %dma_wait3A_84 = tpu.memref_slice %arg9[%add3A_77, %dma_wait3A_83] : memref<80x128xi32, #tpu.memory_space<vmem>> -> memref<1x128xi32, #tpu.memory_space<vmem>>
      %dma_wait3A_85 = tpu.memref_squeeze %dma_wait3A_84 : memref<1x128xi32, #tpu.memory_space<vmem>> -> memref<128xi32, #tpu.memory_space<vmem>>
      %dma_wait3A_86 = arith.constant 0 : i32
      %dma_wait3A_87 = arith.constant 0 : i32
      %dma_wait3A_88 = tpu.memref_slice %arg8[%dma_wait3A_86, %dma_wait3A_87] : memref<10016x64xf32, #tpu.memory_space<vmem_shared>> -> memref<10016x64xf32, #tpu.memory_space<vmem_shared>>
      tpu.wait_indirect_dma semaphore(%arg14 : memref<!tpu.dma_semaphore, #tpu.memory_space<semaphore_mem>>) src(%dma_wait3A_88 : memref<10016x64xf32, #tpu.memory_space<vmem_shared>>) dst(%dma_wait3A_82 : memref<128x64xf32, #tpu.memory_space<vmem>>)
      %mul3A_89 = arith.constant 1 : i32
      %mul3A_90 = arith.muli %add3A_38, %mul3A_89 : i32
      %add3A_91 = arith.constant 0 : i32
      %add3A_92 = arith.addi %mul3A_90, %add3A_91 : i32
      %run_scoped3A_93 = arith.constant 0 : i32
      "tpu.region"() ({
        %run_scoped3A_94 = tpu.sem_alloc : memref<!tpu.dma_semaphore, #tpu.memory_space<semaphore_mem>>
        %dma_start3A_95 = arith.constant 0 : i32
        %dma_start3A_96 = arith.constant 0 : i32
        %dma_start3A_97 = tpu.memref_slice %arg12[%run_scoped3A_93, %dma_start3A_95, %dma_start3A_96] : memref<1x128x64xf32, #tpu.memory_space<vmem>> -> memref<1x128x64xf32, #tpu.memory_space<vmem>>
        %dma_start3A_98 = tpu.memref_squeeze %dma_start3A_97 : memref<1x128x64xf32, #tpu.memory_space<vmem>> -> memref<128x64xf32, #tpu.memory_space<vmem>>
        %dma_start3A_99 = arith.constant 0 : i32
        %dma_start3A_100 = tpu.memref_slice %arg10[%add3A_92, %dma_start3A_99] : memref<80x128xi32, #tpu.memory_space<vmem>> -> memref<1x128xi32, #tpu.memory_space<vmem>>
        %dma_start3A_101 = tpu.memref_squeeze %dma_start3A_100 : memref<1x128xi32, #tpu.memory_space<vmem>> -> memref<128xi32, #tpu.memory_space<vmem>>
        %dma_start3A_102 = arith.constant 0 : i32
        %dma_start3A_103 = arith.constant 0 : i32
        %dma_start3A_104 = tpu.memref_slice %arg7[%dma_start3A_102, %dma_start3A_103] : memref<10016x64xf32, #tpu.memory_space<vmem_shared>> -> memref<10016x64xf32, #tpu.memory_space<vmem_shared>>
        tpu.enqueue_indirect_dma source(%dma_start3A_98 : memref<128x64xf32, #tpu.memory_space<vmem>>) target(%dma_start3A_104 : memref<10016x64xf32, #tpu.memory_space<vmem_shared>>) offsets(%dma_start3A_101 : memref<128xi32, #tpu.memory_space<vmem>>) semaphore(%run_scoped3A_94 : memref<!tpu.dma_semaphore, #tpu.memory_space<semaphore_mem>>) {add = true}
        %dma_wait3A_105 = arith.constant 0 : i32
        %dma_wait3A_106 = arith.constant 0 : i32
        %dma_wait3A_107 = tpu.memref_slice %arg12[%run_scoped3A_93, %dma_wait3A_105, %dma_wait3A_106] : memref<1x128x64xf32, #tpu.memory_space<vmem>> -> memref<1x128x64xf32, #tpu.memory_space<vmem>>
        %dma_wait3A_108 = tpu.memref_squeeze %dma_wait3A_107 : memref<1x128x64xf32, #tpu.memory_space<vmem>> -> memref<128x64xf32, #tpu.memory_space<vmem>>
        %dma_wait3A_109 = arith.constant 0 : i32
        %dma_wait3A_110 = tpu.memref_slice %arg10[%add3A_92, %dma_wait3A_109] : memref<80x128xi32, #tpu.memory_space<vmem>> -> memref<1x128xi32, #tpu.memory_space<vmem>>
        %dma_wait3A_111 = tpu.memref_squeeze %dma_wait3A_110 : memref<1x128xi32, #tpu.memory_space<vmem>> -> memref<128xi32, #tpu.memory_space<vmem>>
        %dma_wait3A_112 = arith.constant 0 : i32
        %dma_wait3A_113 = arith.constant 0 : i32
        %dma_wait3A_114 = tpu.memref_slice %arg7[%dma_wait3A_112, %dma_wait3A_113] : memref<10016x64xf32, #tpu.memory_space<vmem_shared>> -> memref<10016x64xf32, #tpu.memory_space<vmem_shared>>
        tpu.wait_indirect_dma semaphore(%run_scoped3A_94 : memref<!tpu.dma_semaphore, #tpu.memory_space<semaphore_mem>>) src(%dma_wait3A_108 : memref<128x64xf32, #tpu.memory_space<vmem>>) dst(%dma_wait3A_114 : memref<10016x64xf32, #tpu.memory_space<vmem_shared>>)
        tpu.yield
      }) : () -> ()
    }
    %scan3A_25 = arith.constant 40 : i32
    %barrier3A_26 = arith.constant 0 : index
    tpu.barrier barrier_id(%barrier3A_26)
    %barrier3A_27 = arith.constant 0 : index
    tpu.barrier barrier_id(%barrier3A_27)
    %mul3A_28 = arith.constant 626 : i32
    %mul3A_29 = arith.muli %arg1, %mul3A_28 : i32
    %mul3A_30 = arith.constant 626 : i32
    %mul3A_31 = arith.muli %arg1, %mul3A_30 : i32
    "tpu.region"() ({
      %run_scoped3A = tpu.sem_alloc : memref<!tpu.dma_semaphore, #tpu.memory_space<semaphore_mem>>
      %dma_start3A_32 = arith.constant 0 : i32
      %dma_start3A_33 = tpu.memref_slice %arg6[%arg0, %mul3A_31, %dma_start3A_32] : memref<2x10240x64xf32, #tpu.memory_space<hbm>> -> memref<1x626x64xf32, #tpu.memory_space<hbm>>
      %dma_start3A_34 = tpu.memref_squeeze %dma_start3A_33 : memref<1x626x64xf32, #tpu.memory_space<hbm>> -> memref<626x64xf32, #tpu.memory_space<hbm>>
      %dma_start3A_35 = arith.constant 0 : i32
      %dma_start3A_36 = tpu.memref_slice %arg7[%mul3A_29, %dma_start3A_35] : memref<10016x64xf32, #tpu.memory_space<vmem_shared>> -> memref<626x64xf32, #tpu.memory_space<vmem_shared>>
      tpu.enqueue_dma source(%dma_start3A_36 : memref<626x64xf32, #tpu.memory_space<vmem_shared>>) target(%dma_start3A_34 : memref<626x64xf32, #tpu.memory_space<hbm>>) target_semaphore(%run_scoped3A : memref<!tpu.dma_semaphore, #tpu.memory_space<semaphore_mem>>)
      %dma_wait3A = arith.constant 0 : i32
      %dma_wait3A_37 = tpu.memref_slice %arg6[%arg0, %mul3A_31, %dma_wait3A] : memref<2x10240x64xf32, #tpu.memory_space<hbm>> -> memref<1x626x64xf32, #tpu.memory_space<hbm>>
      %dma_wait3A_38 = tpu.memref_squeeze %dma_wait3A_37 : memref<1x626x64xf32, #tpu.memory_space<hbm>> -> memref<626x64xf32, #tpu.memory_space<hbm>>
      %dma_wait3A_39 = arith.constant 0 : i32
      %dma_wait3A_40 = tpu.memref_slice %arg7[%mul3A_29, %dma_wait3A_39] : memref<10016x64xf32, #tpu.memory_space<vmem_shared>> -> memref<626x64xf32, #tpu.memory_space<vmem_shared>>
      tpu.wait_dma2 semaphore(%run_scoped3A : memref<!tpu.dma_semaphore, #tpu.memory_space<semaphore_mem>>) src(%dma_wait3A_40 : memref<626x64xf32, #tpu.memory_space<vmem_shared>>) dst(%dma_wait3A_38 : memref<626x64xf32, #tpu.memory_space<hbm>>)
      tpu.yield
    }) : () -> ()
    return
  }
}

#map = affine_map<(d0, d1) -> (0, 0, 0)>
#map1 = affine_map<(d0, d1) -> (0, 0)>
module attributes {stable_mosaic.version = 14 : i64} {
  func.func @_sc_degree(%arg0: i32, %arg1: i32, %arg2: memref<32x80x128xi32, #tpu.memory_space<hbm>>, %arg3: memref<10240x16xf32, #tpu.memory_space<hbm>>, %arg4: memref<128x16xf32, #tpu.memory_space<hbm>>, %arg5: memref<2x10240x16xf32, #tpu.memory_space<hbm>>, %arg6: memref<10016x16xf32, #tpu.memory_space<vmem_shared>>, %arg7: memref<80x128xi32, #tpu.memory_space<vmem>>, %arg8: memref<128x16xf32, #tpu.memory_space<vmem>>) attributes {dimension_semantics = [#tpu.dimension_semantics<core_parallel>, #tpu.dimension_semantics<subcore_parallel>], iteration_bounds = array<i64: 2, 16>, scalar_prefetch = 0 : i64, scratch_operands = 3 : i64, tpu.core_type = #tpu.core_type<sc_vector_subcore>, window_params = [{transform_indices = #map}, {transform_indices = #map1}, {transform_indices = #map1}, {transform_indices = #map}]} {
    %mul3A = arith.constant 16 : i32
    %mul3A_0 = arith.muli %arg0, %mul3A : i32
    %add3A = arith.addi %mul3A_0, %arg1 : i32
    "tpu.region"() ({
      %run_scoped3A = tpu.sem_alloc : memref<!tpu.dma_semaphore, #tpu.memory_space<semaphore_mem>>
      %dma_start3A = arith.constant 0 : i32
      %dma_start3A_17 = arith.constant 0 : i32
      %dma_start3A_18 = tpu.memref_slice %arg2[%add3A, %dma_start3A, %dma_start3A_17] : memref<32x80x128xi32, #tpu.memory_space<hbm>> -> memref<1x80x128xi32, #tpu.memory_space<hbm>>
      %dma_start3A_19 = tpu.memref_squeeze %dma_start3A_18 : memref<1x80x128xi32, #tpu.memory_space<hbm>> -> memref<80x128xi32, #tpu.memory_space<hbm>>
      %dma_start3A_20 = arith.constant 0 : i32
      %dma_start3A_21 = arith.constant 0 : i32
      %dma_start3A_22 = tpu.memref_slice %arg2[%add3A, %dma_start3A_20, %dma_start3A_21] : memref<32x80x128xi32, #tpu.memory_space<hbm>> -> memref<1x80x128xi32, #tpu.memory_space<hbm>>
      %dma_start3A_23 = tpu.memref_squeeze %dma_start3A_22 : memref<1x80x128xi32, #tpu.memory_space<hbm>> -> memref<80x128xi32, #tpu.memory_space<hbm>>
      tpu.enqueue_dma source(%dma_start3A_23 : memref<80x128xi32, #tpu.memory_space<hbm>>) target(%arg7 : memref<80x128xi32, #tpu.memory_space<vmem>>) target_semaphore(%run_scoped3A : memref<!tpu.dma_semaphore, #tpu.memory_space<semaphore_mem>>)
      %dma_wait3A = arith.constant 0 : i32
      %dma_wait3A_24 = arith.constant 0 : i32
      %dma_wait3A_25 = tpu.memref_slice %arg2[%add3A, %dma_wait3A, %dma_wait3A_24] : memref<32x80x128xi32, #tpu.memory_space<hbm>> -> memref<1x80x128xi32, #tpu.memory_space<hbm>>
      %dma_wait3A_26 = tpu.memref_squeeze %dma_wait3A_25 : memref<1x80x128xi32, #tpu.memory_space<hbm>> -> memref<80x128xi32, #tpu.memory_space<hbm>>
      %dma_wait3A_27 = arith.constant 0 : i32
      %dma_wait3A_28 = arith.constant 0 : i32
      %dma_wait3A_29 = tpu.memref_slice %arg2[%add3A, %dma_wait3A_27, %dma_wait3A_28] : memref<32x80x128xi32, #tpu.memory_space<hbm>> -> memref<1x80x128xi32, #tpu.memory_space<hbm>>
      %dma_wait3A_30 = tpu.memref_squeeze %dma_wait3A_29 : memref<1x80x128xi32, #tpu.memory_space<hbm>> -> memref<80x128xi32, #tpu.memory_space<hbm>>
      tpu.wait_dma2 semaphore(%run_scoped3A : memref<!tpu.dma_semaphore, #tpu.memory_space<semaphore_mem>>) src(%dma_wait3A_30 : memref<80x128xi32, #tpu.memory_space<hbm>>) dst(%arg7 : memref<80x128xi32, #tpu.memory_space<vmem>>)
      tpu.yield
    }) : () -> ()
    "tpu.region"() ({
      %run_scoped3A = tpu.sem_alloc : memref<!tpu.dma_semaphore, #tpu.memory_space<semaphore_mem>>
      tpu.enqueue_dma source(%arg4 : memref<128x16xf32, #tpu.memory_space<hbm>>) target(%arg8 : memref<128x16xf32, #tpu.memory_space<vmem>>) target_semaphore(%run_scoped3A : memref<!tpu.dma_semaphore, #tpu.memory_space<semaphore_mem>>)
      tpu.wait_dma2 semaphore(%run_scoped3A : memref<!tpu.dma_semaphore, #tpu.memory_space<semaphore_mem>>) src(%arg4 : memref<128x16xf32, #tpu.memory_space<hbm>>) dst(%arg8 : memref<128x16xf32, #tpu.memory_space<vmem>>)
      tpu.yield
    }) : () -> ()
    %mul3A_1 = arith.constant 626 : i32
    %mul3A_2 = arith.muli %arg1, %mul3A_1 : i32
    %mul3A_3 = arith.constant 626 : i32
    %mul3A_4 = arith.muli %arg1, %mul3A_3 : i32
    "tpu.region"() ({
      %run_scoped3A = tpu.sem_alloc : memref<!tpu.dma_semaphore, #tpu.memory_space<semaphore_mem>>
      %dma_start3A = arith.constant 0 : i32
      %dma_start3A_17 = tpu.memref_slice %arg6[%mul3A_4, %dma_start3A] : memref<10016x16xf32, #tpu.memory_space<vmem_shared>> -> memref<626x16xf32, #tpu.memory_space<vmem_shared>>
      %dma_start3A_18 = arith.constant 0 : i32
      %dma_start3A_19 = tpu.memref_slice %arg3[%mul3A_2, %dma_start3A_18] : memref<10240x16xf32, #tpu.memory_space<hbm>> -> memref<626x16xf32, #tpu.memory_space<hbm>>
      tpu.enqueue_dma source(%dma_start3A_19 : memref<626x16xf32, #tpu.memory_space<hbm>>) target(%dma_start3A_17 : memref<626x16xf32, #tpu.memory_space<vmem_shared>>) target_semaphore(%run_scoped3A : memref<!tpu.dma_semaphore, #tpu.memory_space<semaphore_mem>>)
      %dma_wait3A = arith.constant 0 : i32
      %dma_wait3A_20 = tpu.memref_slice %arg6[%mul3A_4, %dma_wait3A] : memref<10016x16xf32, #tpu.memory_space<vmem_shared>> -> memref<626x16xf32, #tpu.memory_space<vmem_shared>>
      %dma_wait3A_21 = arith.constant 0 : i32
      %dma_wait3A_22 = tpu.memref_slice %arg3[%mul3A_2, %dma_wait3A_21] : memref<10240x16xf32, #tpu.memory_space<hbm>> -> memref<626x16xf32, #tpu.memory_space<hbm>>
      tpu.wait_dma2 semaphore(%run_scoped3A : memref<!tpu.dma_semaphore, #tpu.memory_space<semaphore_mem>>) src(%dma_wait3A_22 : memref<626x16xf32, #tpu.memory_space<hbm>>) dst(%dma_wait3A_20 : memref<626x16xf32, #tpu.memory_space<vmem_shared>>)
      tpu.yield
    }) : () -> ()
    %barrier3A = arith.constant 0 : index
    tpu.barrier barrier_id(%barrier3A)
    %barrier3A_5 = arith.constant 0 : index
    tpu.barrier barrier_id(%barrier3A_5)
    %scan3A = arith.constant 0 : i32
    %scan3A_6 = arith.constant 0 : i32
    %scan3A_7 = arith.constant 80 : i32
    %scan3A_8 = arith.addi %scan3A_6, %scan3A_7 : i32
    %scan3A_9 = arith.constant 1 : i32
    scf.for %scan3A_17 = %scan3A_6 to %scan3A_8 step %scan3A_9  : i32 {
      "tpu.region"() ({
        %run_scoped3A = tpu.sem_alloc : memref<!tpu.dma_semaphore, #tpu.memory_space<semaphore_mem>>
        %dma_start3A = arith.constant 0 : i32
        %dma_start3A_18 = tpu.memref_slice %arg7[%scan3A_17, %dma_start3A] : memref<80x128xi32, #tpu.memory_space<vmem>> -> memref<1x128xi32, #tpu.memory_space<vmem>>
        %dma_start3A_19 = tpu.memref_squeeze %dma_start3A_18 : memref<1x128xi32, #tpu.memory_space<vmem>> -> memref<128xi32, #tpu.memory_space<vmem>>
        %dma_start3A_20 = arith.constant 0 : i32
        %dma_start3A_21 = arith.constant 0 : i32
        %dma_start3A_22 = tpu.memref_slice %arg6[%dma_start3A_20, %dma_start3A_21] : memref<10016x16xf32, #tpu.memory_space<vmem_shared>> -> memref<10016x16xf32, #tpu.memory_space<vmem_shared>>
        tpu.enqueue_indirect_dma source(%arg8 : memref<128x16xf32, #tpu.memory_space<vmem>>) target(%dma_start3A_22 : memref<10016x16xf32, #tpu.memory_space<vmem_shared>>) offsets(%dma_start3A_19 : memref<128xi32, #tpu.memory_space<vmem>>) semaphore(%run_scoped3A : memref<!tpu.dma_semaphore, #tpu.memory_space<semaphore_mem>>) {add = true}
        %dma_wait3A = arith.constant 0 : i32
        %dma_wait3A_23 = tpu.memref_slice %arg7[%scan3A_17, %dma_wait3A] : memref<80x128xi32, #tpu.memory_space<vmem>> -> memref<1x128xi32, #tpu.memory_space<vmem>>
        %dma_wait3A_24 = tpu.memref_squeeze %dma_wait3A_23 : memref<1x128xi32, #tpu.memory_space<vmem>> -> memref<128xi32, #tpu.memory_space<vmem>>
        %dma_wait3A_25 = arith.constant 0 : i32
        %dma_wait3A_26 = arith.constant 0 : i32
        %dma_wait3A_27 = tpu.memref_slice %arg6[%dma_wait3A_25, %dma_wait3A_26] : memref<10016x16xf32, #tpu.memory_space<vmem_shared>> -> memref<10016x16xf32, #tpu.memory_space<vmem_shared>>
        tpu.wait_indirect_dma semaphore(%run_scoped3A : memref<!tpu.dma_semaphore, #tpu.memory_space<semaphore_mem>>) src(%arg8 : memref<128x16xf32, #tpu.memory_space<vmem>>) dst(%dma_wait3A_27 : memref<10016x16xf32, #tpu.memory_space<vmem_shared>>)
        tpu.yield
      }) : () -> ()
    }
    %scan3A_10 = arith.constant 80 : i32
    %barrier3A_11 = arith.constant 0 : index
    tpu.barrier barrier_id(%barrier3A_11)
    %barrier3A_12 = arith.constant 0 : index
    tpu.barrier barrier_id(%barrier3A_12)
    %mul3A_13 = arith.constant 626 : i32
    %mul3A_14 = arith.muli %arg1, %mul3A_13 : i32
    %mul3A_15 = arith.constant 626 : i32
    %mul3A_16 = arith.muli %arg1, %mul3A_15 : i32
    "tpu.region"() ({
      %run_scoped3A = tpu.sem_alloc : memref<!tpu.dma_semaphore, #tpu.memory_space<semaphore_mem>>
      %dma_start3A = arith.constant 0 : i32
      %dma_start3A_17 = tpu.memref_slice %arg5[%arg0, %mul3A_16, %dma_start3A] : memref<2x10240x16xf32, #tpu.memory_space<hbm>> -> memref<1x626x16xf32, #tpu.memory_space<hbm>>
      %dma_start3A_18 = tpu.memref_squeeze %dma_start3A_17 : memref<1x626x16xf32, #tpu.memory_space<hbm>> -> memref<626x16xf32, #tpu.memory_space<hbm>>
      %dma_start3A_19 = arith.constant 0 : i32
      %dma_start3A_20 = tpu.memref_slice %arg6[%mul3A_14, %dma_start3A_19] : memref<10016x16xf32, #tpu.memory_space<vmem_shared>> -> memref<626x16xf32, #tpu.memory_space<vmem_shared>>
      tpu.enqueue_dma source(%dma_start3A_20 : memref<626x16xf32, #tpu.memory_space<vmem_shared>>) target(%dma_start3A_18 : memref<626x16xf32, #tpu.memory_space<hbm>>) target_semaphore(%run_scoped3A : memref<!tpu.dma_semaphore, #tpu.memory_space<semaphore_mem>>)
      %dma_wait3A = arith.constant 0 : i32
      %dma_wait3A_21 = tpu.memref_slice %arg5[%arg0, %mul3A_16, %dma_wait3A] : memref<2x10240x16xf32, #tpu.memory_space<hbm>> -> memref<1x626x16xf32, #tpu.memory_space<hbm>>
      %dma_wait3A_22 = tpu.memref_squeeze %dma_wait3A_21 : memref<1x626x16xf32, #tpu.memory_space<hbm>> -> memref<626x16xf32, #tpu.memory_space<hbm>>
      %dma_wait3A_23 = arith.constant 0 : i32
      %dma_wait3A_24 = tpu.memref_slice %arg6[%mul3A_14, %dma_wait3A_23] : memref<10016x16xf32, #tpu.memory_space<vmem_shared>> -> memref<626x16xf32, #tpu.memory_space<vmem_shared>>
      tpu.wait_dma2 semaphore(%run_scoped3A : memref<!tpu.dma_semaphore, #tpu.memory_space<semaphore_mem>>) src(%dma_wait3A_24 : memref<626x16xf32, #tpu.memory_space<vmem_shared>>) dst(%dma_wait3A_22 : memref<626x16xf32, #tpu.memory_space<hbm>>)
      tpu.yield
    }) : () -> ()
    return
  }
}

#map = affine_map<(d0, d1) -> (0, 0)>
#map1 = affine_map<(d0, d1) -> (0, 0, 0)>
module attributes {stable_mosaic.version = 14 : i64} {
  func.func @_sc_scatter(%arg0: i32, %arg1: i32, %arg2: memref<10240x64xf32, #tpu.memory_space<hbm>>, %arg3: memref<32x80x128xi32, #tpu.memory_space<hbm>>, %arg4: memref<32x80x128xi32, #tpu.memory_space<hbm>>, %arg5: memref<10240x64xf32, #tpu.memory_space<hbm>>, %arg6: memref<2x10240x64xf32, #tpu.memory_space<hbm>>, %arg7: memref<10016x64xf32, #tpu.memory_space<vmem_shared>>, %arg8: memref<10016x64xf32, #tpu.memory_space<vmem_shared>>, %arg9: memref<80x128xi32, #tpu.memory_space<vmem>>, %arg10: memref<80x128xi32, #tpu.memory_space<vmem>>, %arg11: memref<1x128x64xf32, #tpu.memory_space<vmem>>, %arg12: memref<1x128x64xf32, #tpu.memory_space<vmem>>, %arg13: memref<!tpu.dma_semaphore, #tpu.memory_space<semaphore_mem>>, %arg14: memref<!tpu.dma_semaphore, #tpu.memory_space<semaphore_mem>>) attributes {dimension_semantics = [#tpu.dimension_semantics<core_parallel>, #tpu.dimension_semantics<subcore_parallel>], iteration_bounds = array<i64: 2, 16>, scalar_prefetch = 0 : i64, scratch_operands = 8 : i64, tpu.core_type = #tpu.core_type<sc_vector_subcore>, window_params = [{transform_indices = #map}, {transform_indices = #map1}, {transform_indices = #map1}, {transform_indices = #map}, {transform_indices = #map1}]} {
    %mul3A = arith.constant 16 : i32
    %mul3A_0 = arith.muli %arg0, %mul3A : i32
    %add3A = arith.addi %mul3A_0, %arg1 : i32
    "tpu.region"() ({
      %run_scoped3A = tpu.sem_alloc : memref<!tpu.dma_semaphore, #tpu.memory_space<semaphore_mem>>
      %dma_start3A_32 = arith.constant 0 : i32
      %dma_start3A_33 = arith.constant 0 : i32
      %dma_start3A_34 = tpu.memref_slice %arg3[%add3A, %dma_start3A_32, %dma_start3A_33] : memref<32x80x128xi32, #tpu.memory_space<hbm>> -> memref<1x80x128xi32, #tpu.memory_space<hbm>>
      %dma_start3A_35 = tpu.memref_squeeze %dma_start3A_34 : memref<1x80x128xi32, #tpu.memory_space<hbm>> -> memref<80x128xi32, #tpu.memory_space<hbm>>
      %dma_start3A_36 = arith.constant 0 : i32
      %dma_start3A_37 = arith.constant 0 : i32
      %dma_start3A_38 = tpu.memref_slice %arg3[%add3A, %dma_start3A_36, %dma_start3A_37] : memref<32x80x128xi32, #tpu.memory_space<hbm>> -> memref<1x80x128xi32, #tpu.memory_space<hbm>>
      %dma_start3A_39 = tpu.memref_squeeze %dma_start3A_38 : memref<1x80x128xi32, #tpu.memory_space<hbm>> -> memref<80x128xi32, #tpu.memory_space<hbm>>
      tpu.enqueue_dma source(%dma_start3A_39 : memref<80x128xi32, #tpu.memory_space<hbm>>) target(%arg9 : memref<80x128xi32, #tpu.memory_space<vmem>>) target_semaphore(%run_scoped3A : memref<!tpu.dma_semaphore, #tpu.memory_space<semaphore_mem>>)
      %dma_wait3A = arith.constant 0 : i32
      %dma_wait3A_40 = arith.constant 0 : i32
      %dma_wait3A_41 = tpu.memref_slice %arg3[%add3A, %dma_wait3A, %dma_wait3A_40] : memref<32x80x128xi32, #tpu.memory_space<hbm>> -> memref<1x80x128xi32, #tpu.memory_space<hbm>>
      %dma_wait3A_42 = tpu.memref_squeeze %dma_wait3A_41 : memref<1x80x128xi32, #tpu.memory_space<hbm>> -> memref<80x128xi32, #tpu.memory_space<hbm>>
      %dma_wait3A_43 = arith.constant 0 : i32
      %dma_wait3A_44 = arith.constant 0 : i32
      %dma_wait3A_45 = tpu.memref_slice %arg3[%add3A, %dma_wait3A_43, %dma_wait3A_44] : memref<32x80x128xi32, #tpu.memory_space<hbm>> -> memref<1x80x128xi32, #tpu.memory_space<hbm>>
      %dma_wait3A_46 = tpu.memref_squeeze %dma_wait3A_45 : memref<1x80x128xi32, #tpu.memory_space<hbm>> -> memref<80x128xi32, #tpu.memory_space<hbm>>
      tpu.wait_dma2 semaphore(%run_scoped3A : memref<!tpu.dma_semaphore, #tpu.memory_space<semaphore_mem>>) src(%dma_wait3A_46 : memref<80x128xi32, #tpu.memory_space<hbm>>) dst(%arg9 : memref<80x128xi32, #tpu.memory_space<vmem>>)
      tpu.yield
    }) : () -> ()
    "tpu.region"() ({
      %run_scoped3A = tpu.sem_alloc : memref<!tpu.dma_semaphore, #tpu.memory_space<semaphore_mem>>
      %dma_start3A_32 = arith.constant 0 : i32
      %dma_start3A_33 = arith.constant 0 : i32
      %dma_start3A_34 = tpu.memref_slice %arg4[%add3A, %dma_start3A_32, %dma_start3A_33] : memref<32x80x128xi32, #tpu.memory_space<hbm>> -> memref<1x80x128xi32, #tpu.memory_space<hbm>>
      %dma_start3A_35 = tpu.memref_squeeze %dma_start3A_34 : memref<1x80x128xi32, #tpu.memory_space<hbm>> -> memref<80x128xi32, #tpu.memory_space<hbm>>
      %dma_start3A_36 = arith.constant 0 : i32
      %dma_start3A_37 = arith.constant 0 : i32
      %dma_start3A_38 = tpu.memref_slice %arg4[%add3A, %dma_start3A_36, %dma_start3A_37] : memref<32x80x128xi32, #tpu.memory_space<hbm>> -> memref<1x80x128xi32, #tpu.memory_space<hbm>>
      %dma_start3A_39 = tpu.memref_squeeze %dma_start3A_38 : memref<1x80x128xi32, #tpu.memory_space<hbm>> -> memref<80x128xi32, #tpu.memory_space<hbm>>
      tpu.enqueue_dma source(%dma_start3A_39 : memref<80x128xi32, #tpu.memory_space<hbm>>) target(%arg10 : memref<80x128xi32, #tpu.memory_space<vmem>>) target_semaphore(%run_scoped3A : memref<!tpu.dma_semaphore, #tpu.memory_space<semaphore_mem>>)
      %dma_wait3A = arith.constant 0 : i32
      %dma_wait3A_40 = arith.constant 0 : i32
      %dma_wait3A_41 = tpu.memref_slice %arg4[%add3A, %dma_wait3A, %dma_wait3A_40] : memref<32x80x128xi32, #tpu.memory_space<hbm>> -> memref<1x80x128xi32, #tpu.memory_space<hbm>>
      %dma_wait3A_42 = tpu.memref_squeeze %dma_wait3A_41 : memref<1x80x128xi32, #tpu.memory_space<hbm>> -> memref<80x128xi32, #tpu.memory_space<hbm>>
      %dma_wait3A_43 = arith.constant 0 : i32
      %dma_wait3A_44 = arith.constant 0 : i32
      %dma_wait3A_45 = tpu.memref_slice %arg4[%add3A, %dma_wait3A_43, %dma_wait3A_44] : memref<32x80x128xi32, #tpu.memory_space<hbm>> -> memref<1x80x128xi32, #tpu.memory_space<hbm>>
      %dma_wait3A_46 = tpu.memref_squeeze %dma_wait3A_45 : memref<1x80x128xi32, #tpu.memory_space<hbm>> -> memref<80x128xi32, #tpu.memory_space<hbm>>
      tpu.wait_dma2 semaphore(%run_scoped3A : memref<!tpu.dma_semaphore, #tpu.memory_space<semaphore_mem>>) src(%dma_wait3A_46 : memref<80x128xi32, #tpu.memory_space<hbm>>) dst(%arg10 : memref<80x128xi32, #tpu.memory_space<vmem>>)
      tpu.yield
    }) : () -> ()
    %mul3A_1 = arith.constant 626 : i32
    %mul3A_2 = arith.muli %arg1, %mul3A_1 : i32
    %mul3A_3 = arith.constant 626 : i32
    %mul3A_4 = arith.muli %arg1, %mul3A_3 : i32
    "tpu.region"() ({
      %run_scoped3A = tpu.sem_alloc : memref<!tpu.dma_semaphore, #tpu.memory_space<semaphore_mem>>
      %dma_start3A_32 = arith.constant 0 : i32
      %dma_start3A_33 = tpu.memref_slice %arg7[%mul3A_4, %dma_start3A_32] : memref<10016x64xf32, #tpu.memory_space<vmem_shared>> -> memref<626x64xf32, #tpu.memory_space<vmem_shared>>
      %dma_start3A_34 = arith.constant 0 : i32
      %dma_start3A_35 = tpu.memref_slice %arg5[%mul3A_2, %dma_start3A_34] : memref<10240x64xf32, #tpu.memory_space<hbm>> -> memref<626x64xf32, #tpu.memory_space<hbm>>
      tpu.enqueue_dma source(%dma_start3A_35 : memref<626x64xf32, #tpu.memory_space<hbm>>) target(%dma_start3A_33 : memref<626x64xf32, #tpu.memory_space<vmem_shared>>) target_semaphore(%run_scoped3A : memref<!tpu.dma_semaphore, #tpu.memory_space<semaphore_mem>>)
      %dma_wait3A = arith.constant 0 : i32
      %dma_wait3A_36 = tpu.memref_slice %arg7[%mul3A_4, %dma_wait3A] : memref<10016x64xf32, #tpu.memory_space<vmem_shared>> -> memref<626x64xf32, #tpu.memory_space<vmem_shared>>
      %dma_wait3A_37 = arith.constant 0 : i32
      %dma_wait3A_38 = tpu.memref_slice %arg5[%mul3A_2, %dma_wait3A_37] : memref<10240x64xf32, #tpu.memory_space<hbm>> -> memref<626x64xf32, #tpu.memory_space<hbm>>
      tpu.wait_dma2 semaphore(%run_scoped3A : memref<!tpu.dma_semaphore, #tpu.memory_space<semaphore_mem>>) src(%dma_wait3A_38 : memref<626x64xf32, #tpu.memory_space<hbm>>) dst(%dma_wait3A_36 : memref<626x64xf32, #tpu.memory_space<vmem_shared>>)
      tpu.yield
    }) : () -> ()
    %mul3A_5 = arith.constant 626 : i32
    %mul3A_6 = arith.muli %arg1, %mul3A_5 : i32
    %mul3A_7 = arith.constant 626 : i32
    %mul3A_8 = arith.muli %arg1, %mul3A_7 : i32
    "tpu.region"() ({
      %run_scoped3A = tpu.sem_alloc : memref<!tpu.dma_semaphore, #tpu.memory_space<semaphore_mem>>
      %dma_start3A_32 = arith.constant 0 : i32
      %dma_start3A_33 = tpu.memref_slice %arg8[%mul3A_8, %dma_start3A_32] : memref<10016x64xf32, #tpu.memory_space<vmem_shared>> -> memref<626x64xf32, #tpu.memory_space<vmem_shared>>
      %dma_start3A_34 = arith.constant 0 : i32
      %dma_start3A_35 = tpu.memref_slice %arg2[%mul3A_6, %dma_start3A_34] : memref<10240x64xf32, #tpu.memory_space<hbm>> -> memref<626x64xf32, #tpu.memory_space<hbm>>
      tpu.enqueue_dma source(%dma_start3A_35 : memref<626x64xf32, #tpu.memory_space<hbm>>) target(%dma_start3A_33 : memref<626x64xf32, #tpu.memory_space<vmem_shared>>) target_semaphore(%run_scoped3A : memref<!tpu.dma_semaphore, #tpu.memory_space<semaphore_mem>>)
      %dma_wait3A = arith.constant 0 : i32
      %dma_wait3A_36 = tpu.memref_slice %arg8[%mul3A_8, %dma_wait3A] : memref<10016x64xf32, #tpu.memory_space<vmem_shared>> -> memref<626x64xf32, #tpu.memory_space<vmem_shared>>
      %dma_wait3A_37 = arith.constant 0 : i32
      %dma_wait3A_38 = tpu.memref_slice %arg2[%mul3A_6, %dma_wait3A_37] : memref<10240x64xf32, #tpu.memory_space<hbm>> -> memref<626x64xf32, #tpu.memory_space<hbm>>
      tpu.wait_dma2 semaphore(%run_scoped3A : memref<!tpu.dma_semaphore, #tpu.memory_space<semaphore_mem>>) src(%dma_wait3A_38 : memref<626x64xf32, #tpu.memory_space<hbm>>) dst(%dma_wait3A_36 : memref<626x64xf32, #tpu.memory_space<vmem_shared>>)
      tpu.yield
    }) : () -> ()
    %barrier3A = arith.constant 0 : index
    tpu.barrier barrier_id(%barrier3A)
    %barrier3A_9 = arith.constant 0 : index
    tpu.barrier barrier_id(%barrier3A_9)
    %dma_start3A = arith.constant 0 : i32
    %dma_start3A_10 = arith.constant 0 : i32
    %dma_start3A_11 = arith.constant 0 : i32
    %dma_start3A_12 = arith.constant 0 : i32
    %dma_start3A_13 = tpu.memref_slice %arg11[%dma_start3A_10, %dma_start3A_11, %dma_start3A_12] : memref<1x128x64xf32, #tpu.memory_space<vmem>> -> memref<1x128x64xf32, #tpu.memory_space<vmem>>
    %dma_start3A_14 = tpu.memref_squeeze %dma_start3A_13 : memref<1x128x64xf32, #tpu.memory_space<vmem>> -> memref<128x64xf32, #tpu.memory_space<vmem>>
    %dma_start3A_15 = arith.constant 0 : i32
    %dma_start3A_16 = tpu.memref_slice %arg9[%dma_start3A, %dma_start3A_15] : memref<80x128xi32, #tpu.memory_space<vmem>> -> memref<1x128xi32, #tpu.memory_space<vmem>>
    %dma_start3A_17 = tpu.memref_squeeze %dma_start3A_16 : memref<1x128xi32, #tpu.memory_space<vmem>> -> memref<128xi32, #tpu.memory_space<vmem>>
    %dma_start3A_18 = arith.constant 0 : i32
    %dma_start3A_19 = arith.constant 0 : i32
    %dma_start3A_20 = tpu.memref_slice %arg8[%dma_start3A_18, %dma_start3A_19] : memref<10016x64xf32, #tpu.memory_space<vmem_shared>> -> memref<10016x64xf32, #tpu.memory_space<vmem_shared>>
    tpu.enqueue_indirect_dma source(%dma_start3A_20 : memref<10016x64xf32, #tpu.memory_space<vmem_shared>>) target(%dma_start3A_14 : memref<128x64xf32, #tpu.memory_space<vmem>>) offsets(%dma_start3A_17 : memref<128xi32, #tpu.memory_space<vmem>>) semaphore(%arg13 : memref<!tpu.dma_semaphore, #tpu.memory_space<semaphore_mem>>)
    %scan3A = arith.constant 0 : i32
    %scan3A_21 = arith.constant 0 : i32
    %scan3A_22 = arith.constant 40 : i32
    %scan3A_23 = arith.addi %scan3A_21, %scan3A_22 : i32
    %scan3A_24 = arith.constant 1 : i32
    scf.for %scan3A_32 = %scan3A_21 to %scan3A_23 step %scan3A_24  : i32 {
      %mul3A_33 = arith.constant 2 : i32
      %mul3A_34 = arith.muli %mul3A_33, %scan3A_32 : i32
      %mul3A_35 = arith.constant 2 : i32
      %mul3A_36 = arith.muli %mul3A_35, %scan3A_32 : i32
      %add3A_37 = arith.constant 1 : i32
      %add3A_38 = arith.addi %mul3A_36, %add3A_37 : i32
      %mul3A_39 = arith.constant 1 : i32
      %mul3A_40 = arith.muli %add3A_38, %mul3A_39 : i32
      %add3A_41 = arith.constant 0 : i32
      %add3A_42 = arith.addi %mul3A_40, %add3A_41 : i32
      %dma_start3A_43 = arith.constant 0 : i32
      %dma_start3A_44 = arith.constant 0 : i32
      %dma_start3A_45 = arith.constant 0 : i32
      %dma_start3A_46 = tpu.memref_slice %arg12[%dma_start3A_43, %dma_start3A_44, %dma_start3A_45] : memref<1x128x64xf32, #tpu.memory_space<vmem>> -> memref<1x128x64xf32, #tpu.memory_space<vmem>>
      %dma_start3A_47 = tpu.memref_squeeze %dma_start3A_46 : memref<1x128x64xf32, #tpu.memory_space<vmem>> -> memref<128x64xf32, #tpu.memory_space<vmem>>
      %dma_start3A_48 = arith.constant 0 : i32
      %dma_start3A_49 = tpu.memref_slice %arg9[%add3A_42, %dma_start3A_48] : memref<80x128xi32, #tpu.memory_space<vmem>> -> memref<1x128xi32, #tpu.memory_space<vmem>>
      %dma_start3A_50 = tpu.memref_squeeze %dma_start3A_49 : memref<1x128xi32, #tpu.memory_space<vmem>> -> memref<128xi32, #tpu.memory_space<vmem>>
      %dma_start3A_51 = arith.constant 0 : i32
      %dma_start3A_52 = arith.constant 0 : i32
      %dma_start3A_53 = tpu.memref_slice %arg8[%dma_start3A_51, %dma_start3A_52] : memref<10016x64xf32, #tpu.memory_space<vmem_shared>> -> memref<10016x64xf32, #tpu.memory_space<vmem_shared>>
      tpu.enqueue_indirect_dma source(%dma_start3A_53 : memref<10016x64xf32, #tpu.memory_space<vmem_shared>>) target(%dma_start3A_47 : memref<128x64xf32, #tpu.memory_space<vmem>>) offsets(%dma_start3A_50 : memref<128xi32, #tpu.memory_space<vmem>>) semaphore(%arg14 : memref<!tpu.dma_semaphore, #tpu.memory_space<semaphore_mem>>)
      %mul3A_54 = arith.constant 1 : i32
      %mul3A_55 = arith.muli %mul3A_34, %mul3A_54 : i32
      %add3A_56 = arith.constant 0 : i32
      %add3A_57 = arith.addi %mul3A_55, %add3A_56 : i32
      %dma_wait3A = arith.constant 0 : i32
      %dma_wait3A_58 = arith.constant 0 : i32
      %dma_wait3A_59 = arith.constant 0 : i32
      %dma_wait3A_60 = tpu.memref_slice %arg11[%dma_wait3A, %dma_wait3A_58, %dma_wait3A_59] : memref<1x128x64xf32, #tpu.memory_space<vmem>> -> memref<1x128x64xf32, #tpu.memory_space<vmem>>
      %dma_wait3A_61 = tpu.memref_squeeze %dma_wait3A_60 : memref<1x128x64xf32, #tpu.memory_space<vmem>> -> memref<128x64xf32, #tpu.memory_space<vmem>>
      %dma_wait3A_62 = arith.constant 0 : i32
      %dma_wait3A_63 = tpu.memref_slice %arg9[%add3A_57, %dma_wait3A_62] : memref<80x128xi32, #tpu.memory_space<vmem>> -> memref<1x128xi32, #tpu.memory_space<vmem>>
      %dma_wait3A_64 = tpu.memref_squeeze %dma_wait3A_63 : memref<1x128xi32, #tpu.memory_space<vmem>> -> memref<128xi32, #tpu.memory_space<vmem>>
      %dma_wait3A_65 = arith.constant 0 : i32
      %dma_wait3A_66 = arith.constant 0 : i32
      %dma_wait3A_67 = tpu.memref_slice %arg8[%dma_wait3A_65, %dma_wait3A_66] : memref<10016x64xf32, #tpu.memory_space<vmem_shared>> -> memref<10016x64xf32, #tpu.memory_space<vmem_shared>>
      tpu.wait_indirect_dma semaphore(%arg13 : memref<!tpu.dma_semaphore, #tpu.memory_space<semaphore_mem>>) src(%dma_wait3A_67 : memref<10016x64xf32, #tpu.memory_space<vmem_shared>>) dst(%dma_wait3A_61 : memref<128x64xf32, #tpu.memory_space<vmem>>)
      %mul3A_68 = arith.constant 1 : i32
      %mul3A_69 = arith.muli %mul3A_34, %mul3A_68 : i32
      %add3A_70 = arith.constant 0 : i32
      %add3A_71 = arith.addi %mul3A_69, %add3A_70 : i32
      %run_scoped3A = arith.constant 0 : i32
      "tpu.region"() ({
        %run_scoped3A_94 = tpu.sem_alloc : memref<!tpu.dma_semaphore, #tpu.memory_space<semaphore_mem>>
        %dma_start3A_95 = arith.constant 0 : i32
        %dma_start3A_96 = arith.constant 0 : i32
        %dma_start3A_97 = tpu.memref_slice %arg11[%run_scoped3A, %dma_start3A_95, %dma_start3A_96] : memref<1x128x64xf32, #tpu.memory_space<vmem>> -> memref<1x128x64xf32, #tpu.memory_space<vmem>>
        %dma_start3A_98 = tpu.memref_squeeze %dma_start3A_97 : memref<1x128x64xf32, #tpu.memory_space<vmem>> -> memref<128x64xf32, #tpu.memory_space<vmem>>
        %dma_start3A_99 = arith.constant 0 : i32
        %dma_start3A_100 = tpu.memref_slice %arg10[%add3A_71, %dma_start3A_99] : memref<80x128xi32, #tpu.memory_space<vmem>> -> memref<1x128xi32, #tpu.memory_space<vmem>>
        %dma_start3A_101 = tpu.memref_squeeze %dma_start3A_100 : memref<1x128xi32, #tpu.memory_space<vmem>> -> memref<128xi32, #tpu.memory_space<vmem>>
        %dma_start3A_102 = arith.constant 0 : i32
        %dma_start3A_103 = arith.constant 0 : i32
        %dma_start3A_104 = tpu.memref_slice %arg7[%dma_start3A_102, %dma_start3A_103] : memref<10016x64xf32, #tpu.memory_space<vmem_shared>> -> memref<10016x64xf32, #tpu.memory_space<vmem_shared>>
        tpu.enqueue_indirect_dma source(%dma_start3A_98 : memref<128x64xf32, #tpu.memory_space<vmem>>) target(%dma_start3A_104 : memref<10016x64xf32, #tpu.memory_space<vmem_shared>>) offsets(%dma_start3A_101 : memref<128xi32, #tpu.memory_space<vmem>>) semaphore(%run_scoped3A_94 : memref<!tpu.dma_semaphore, #tpu.memory_space<semaphore_mem>>) {add = true}
        %dma_wait3A_105 = arith.constant 0 : i32
        %dma_wait3A_106 = arith.constant 0 : i32
        %dma_wait3A_107 = tpu.memref_slice %arg11[%run_scoped3A, %dma_wait3A_105, %dma_wait3A_106] : memref<1x128x64xf32, #tpu.memory_space<vmem>> -> memref<1x128x64xf32, #tpu.memory_space<vmem>>
        %dma_wait3A_108 = tpu.memref_squeeze %dma_wait3A_107 : memref<1x128x64xf32, #tpu.memory_space<vmem>> -> memref<128x64xf32, #tpu.memory_space<vmem>>
        %dma_wait3A_109 = arith.constant 0 : i32
        %dma_wait3A_110 = tpu.memref_slice %arg10[%add3A_71, %dma_wait3A_109] : memref<80x128xi32, #tpu.memory_space<vmem>> -> memref<1x128xi32, #tpu.memory_space<vmem>>
        %dma_wait3A_111 = tpu.memref_squeeze %dma_wait3A_110 : memref<1x128xi32, #tpu.memory_space<vmem>> -> memref<128xi32, #tpu.memory_space<vmem>>
        %dma_wait3A_112 = arith.constant 0 : i32
        %dma_wait3A_113 = arith.constant 0 : i32
        %dma_wait3A_114 = tpu.memref_slice %arg7[%dma_wait3A_112, %dma_wait3A_113] : memref<10016x64xf32, #tpu.memory_space<vmem_shared>> -> memref<10016x64xf32, #tpu.memory_space<vmem_shared>>
        tpu.wait_indirect_dma semaphore(%run_scoped3A_94 : memref<!tpu.dma_semaphore, #tpu.memory_space<semaphore_mem>>) src(%dma_wait3A_108 : memref<128x64xf32, #tpu.memory_space<vmem>>) dst(%dma_wait3A_114 : memref<10016x64xf32, #tpu.memory_space<vmem_shared>>)
        tpu.yield
      }) : () -> ()
      %lt3A = arith.constant 39 : i32
      %lt3A_72 = arith.cmpi slt, %scan3A_32, %lt3A : i32
      %convert_element_type3A = arith.extui %lt3A_72 : i1 to i32
      %cond3A = arith.constant 0 : i32
      %cond3A_73 = arith.cmpi ne, %convert_element_type3A, %cond3A : i32
      scf.if %cond3A_73 {
        %add3A_94 = arith.constant 2 : i32
        %add3A_95 = arith.addi %mul3A_34, %add3A_94 : i32
        %mul3A_96 = arith.constant 1 : i32
        %mul3A_97 = arith.muli %add3A_95, %mul3A_96 : i32
        %add3A_98 = arith.constant 0 : i32
        %add3A_99 = arith.addi %mul3A_97, %add3A_98 : i32
        %dma_start3A_100 = arith.constant 0 : i32
        %dma_start3A_101 = arith.constant 0 : i32
        %dma_start3A_102 = arith.constant 0 : i32
        %dma_start3A_103 = tpu.memref_slice %arg11[%dma_start3A_100, %dma_start3A_101, %dma_start3A_102] : memref<1x128x64xf32, #tpu.memory_space<vmem>> -> memref<1x128x64xf32, #tpu.memory_space<vmem>>
        %dma_start3A_104 = tpu.memref_squeeze %dma_start3A_103 : memref<1x128x64xf32, #tpu.memory_space<vmem>> -> memref<128x64xf32, #tpu.memory_space<vmem>>
        %dma_start3A_105 = arith.constant 0 : i32
        %dma_start3A_106 = tpu.memref_slice %arg9[%add3A_99, %dma_start3A_105] : memref<80x128xi32, #tpu.memory_space<vmem>> -> memref<1x128xi32, #tpu.memory_space<vmem>>
        %dma_start3A_107 = tpu.memref_squeeze %dma_start3A_106 : memref<1x128xi32, #tpu.memory_space<vmem>> -> memref<128xi32, #tpu.memory_space<vmem>>
        %dma_start3A_108 = arith.constant 0 : i32
        %dma_start3A_109 = arith.constant 0 : i32
        %dma_start3A_110 = tpu.memref_slice %arg8[%dma_start3A_108, %dma_start3A_109] : memref<10016x64xf32, #tpu.memory_space<vmem_shared>> -> memref<10016x64xf32, #tpu.memory_space<vmem_shared>>
        tpu.enqueue_indirect_dma source(%dma_start3A_110 : memref<10016x64xf32, #tpu.memory_space<vmem_shared>>) target(%dma_start3A_104 : memref<128x64xf32, #tpu.memory_space<vmem>>) offsets(%dma_start3A_107 : memref<128xi32, #tpu.memory_space<vmem>>) semaphore(%arg13 : memref<!tpu.dma_semaphore, #tpu.memory_space<semaphore_mem>>)
      } else {
      }
      %mul3A_74 = arith.constant 1 : i32
      %mul3A_75 = arith.muli %add3A_38, %mul3A_74 : i32
      %add3A_76 = arith.constant 0 : i32
      %add3A_77 = arith.addi %mul3A_75, %add3A_76 : i32
      %dma_wait3A_78 = arith.constant 0 : i32
      %dma_wait3A_79 = arith.constant 0 : i32
      %dma_wait3A_80 = arith.constant 0 : i32
      %dma_wait3A_81 = tpu.memref_slice %arg12[%dma_wait3A_78, %dma_wait3A_79, %dma_wait3A_80] : memref<1x128x64xf32, #tpu.memory_space<vmem>> -> memref<1x128x64xf32, #tpu.memory_space<vmem>>
      %dma_wait3A_82 = tpu.memref_squeeze %dma_wait3A_81 : memref<1x128x64xf32, #tpu.memory_space<vmem>> -> memref<128x64xf32, #tpu.memory_space<vmem>>
      %dma_wait3A_83 = arith.constant 0 : i32
      %dma_wait3A_84 = tpu.memref_slice %arg9[%add3A_77, %dma_wait3A_83] : memref<80x128xi32, #tpu.memory_space<vmem>> -> memref<1x128xi32, #tpu.memory_space<vmem>>
      %dma_wait3A_85 = tpu.memref_squeeze %dma_wait3A_84 : memref<1x128xi32, #tpu.memory_space<vmem>> -> memref<128xi32, #tpu.memory_space<vmem>>
      %dma_wait3A_86 = arith.constant 0 : i32
      %dma_wait3A_87 = arith.constant 0 : i32
      %dma_wait3A_88 = tpu.memref_slice %arg8[%dma_wait3A_86, %dma_wait3A_87] : memref<10016x64xf32, #tpu.memory_space<vmem_shared>> -> memref<10016x64xf32, #tpu.memory_space<vmem_shared>>
      tpu.wait_indirect_dma semaphore(%arg14 : memref<!tpu.dma_semaphore, #tpu.memory_space<semaphore_mem>>) src(%dma_wait3A_88 : memref<10016x64xf32, #tpu.memory_space<vmem_shared>>) dst(%dma_wait3A_82 : memref<128x64xf32, #tpu.memory_space<vmem>>)
      %mul3A_89 = arith.constant 1 : i32
      %mul3A_90 = arith.muli %add3A_38, %mul3A_89 : i32
      %add3A_91 = arith.constant 0 : i32
      %add3A_92 = arith.addi %mul3A_90, %add3A_91 : i32
      %run_scoped3A_93 = arith.constant 0 : i32
      "tpu.region"() ({
        %run_scoped3A_94 = tpu.sem_alloc : memref<!tpu.dma_semaphore, #tpu.memory_space<semaphore_mem>>
        %dma_start3A_95 = arith.constant 0 : i32
        %dma_start3A_96 = arith.constant 0 : i32
        %dma_start3A_97 = tpu.memref_slice %arg12[%run_scoped3A_93, %dma_start3A_95, %dma_start3A_96] : memref<1x128x64xf32, #tpu.memory_space<vmem>> -> memref<1x128x64xf32, #tpu.memory_space<vmem>>
        %dma_start3A_98 = tpu.memref_squeeze %dma_start3A_97 : memref<1x128x64xf32, #tpu.memory_space<vmem>> -> memref<128x64xf32, #tpu.memory_space<vmem>>
        %dma_start3A_99 = arith.constant 0 : i32
        %dma_start3A_100 = tpu.memref_slice %arg10[%add3A_92, %dma_start3A_99] : memref<80x128xi32, #tpu.memory_space<vmem>> -> memref<1x128xi32, #tpu.memory_space<vmem>>
        %dma_start3A_101 = tpu.memref_squeeze %dma_start3A_100 : memref<1x128xi32, #tpu.memory_space<vmem>> -> memref<128xi32, #tpu.memory_space<vmem>>
        %dma_start3A_102 = arith.constant 0 : i32
        %dma_start3A_103 = arith.constant 0 : i32
        %dma_start3A_104 = tpu.memref_slice %arg7[%dma_start3A_102, %dma_start3A_103] : memref<10016x64xf32, #tpu.memory_space<vmem_shared>> -> memref<10016x64xf32, #tpu.memory_space<vmem_shared>>
        tpu.enqueue_indirect_dma source(%dma_start3A_98 : memref<128x64xf32, #tpu.memory_space<vmem>>) target(%dma_start3A_104 : memref<10016x64xf32, #tpu.memory_space<vmem_shared>>) offsets(%dma_start3A_101 : memref<128xi32, #tpu.memory_space<vmem>>) semaphore(%run_scoped3A_94 : memref<!tpu.dma_semaphore, #tpu.memory_space<semaphore_mem>>) {add = true}
        %dma_wait3A_105 = arith.constant 0 : i32
        %dma_wait3A_106 = arith.constant 0 : i32
        %dma_wait3A_107 = tpu.memref_slice %arg12[%run_scoped3A_93, %dma_wait3A_105, %dma_wait3A_106] : memref<1x128x64xf32, #tpu.memory_space<vmem>> -> memref<1x128x64xf32, #tpu.memory_space<vmem>>
        %dma_wait3A_108 = tpu.memref_squeeze %dma_wait3A_107 : memref<1x128x64xf32, #tpu.memory_space<vmem>> -> memref<128x64xf32, #tpu.memory_space<vmem>>
        %dma_wait3A_109 = arith.constant 0 : i32
        %dma_wait3A_110 = tpu.memref_slice %arg10[%add3A_92, %dma_wait3A_109] : memref<80x128xi32, #tpu.memory_space<vmem>> -> memref<1x128xi32, #tpu.memory_space<vmem>>
        %dma_wait3A_111 = tpu.memref_squeeze %dma_wait3A_110 : memref<1x128xi32, #tpu.memory_space<vmem>> -> memref<128xi32, #tpu.memory_space<vmem>>
        %dma_wait3A_112 = arith.constant 0 : i32
        %dma_wait3A_113 = arith.constant 0 : i32
        %dma_wait3A_114 = tpu.memref_slice %arg7[%dma_wait3A_112, %dma_wait3A_113] : memref<10016x64xf32, #tpu.memory_space<vmem_shared>> -> memref<10016x64xf32, #tpu.memory_space<vmem_shared>>
        tpu.wait_indirect_dma semaphore(%run_scoped3A_94 : memref<!tpu.dma_semaphore, #tpu.memory_space<semaphore_mem>>) src(%dma_wait3A_108 : memref<128x64xf32, #tpu.memory_space<vmem>>) dst(%dma_wait3A_114 : memref<10016x64xf32, #tpu.memory_space<vmem_shared>>)
        tpu.yield
      }) : () -> ()
    }
    %scan3A_25 = arith.constant 40 : i32
    %barrier3A_26 = arith.constant 0 : index
    tpu.barrier barrier_id(%barrier3A_26)
    %barrier3A_27 = arith.constant 0 : index
    tpu.barrier barrier_id(%barrier3A_27)
    %mul3A_28 = arith.constant 626 : i32
    %mul3A_29 = arith.muli %arg1, %mul3A_28 : i32
    %mul3A_30 = arith.constant 626 : i32
    %mul3A_31 = arith.muli %arg1, %mul3A_30 : i32
    "tpu.region"() ({
      %run_scoped3A = tpu.sem_alloc : memref<!tpu.dma_semaphore, #tpu.memory_space<semaphore_mem>>
      %dma_start3A_32 = arith.constant 0 : i32
      %dma_start3A_33 = tpu.memref_slice %arg6[%arg0, %mul3A_31, %dma_start3A_32] : memref<2x10240x64xf32, #tpu.memory_space<hbm>> -> memref<1x626x64xf32, #tpu.memory_space<hbm>>
      %dma_start3A_34 = tpu.memref_squeeze %dma_start3A_33 : memref<1x626x64xf32, #tpu.memory_space<hbm>> -> memref<626x64xf32, #tpu.memory_space<hbm>>
      %dma_start3A_35 = arith.constant 0 : i32
      %dma_start3A_36 = tpu.memref_slice %arg7[%mul3A_29, %dma_start3A_35] : memref<10016x64xf32, #tpu.memory_space<vmem_shared>> -> memref<626x64xf32, #tpu.memory_space<vmem_shared>>
      tpu.enqueue_dma source(%dma_start3A_36 : memref<626x64xf32, #tpu.memory_space<vmem_shared>>) target(%dma_start3A_34 : memref<626x64xf32, #tpu.memory_space<hbm>>) target_semaphore(%run_scoped3A : memref<!tpu.dma_semaphore, #tpu.memory_space<semaphore_mem>>)
      %dma_wait3A = arith.constant 0 : i32
      %dma_wait3A_37 = tpu.memref_slice %arg6[%arg0, %mul3A_31, %dma_wait3A] : memref<2x10240x64xf32, #tpu.memory_space<hbm>> -> memref<1x626x64xf32, #tpu.memory_space<hbm>>
      %dma_wait3A_38 = tpu.memref_squeeze %dma_wait3A_37 : memref<1x626x64xf32, #tpu.memory_space<hbm>> -> memref<626x64xf32, #tpu.memory_space<hbm>>
      %dma_wait3A_39 = arith.constant 0 : i32
      %dma_wait3A_40 = tpu.memref_slice %arg7[%mul3A_29, %dma_wait3A_39] : memref<10016x64xf32, #tpu.memory_space<vmem_shared>> -> memref<626x64xf32, #tpu.memory_space<vmem_shared>>
      tpu.wait_dma2 semaphore(%run_scoped3A : memref<!tpu.dma_semaphore, #tpu.memory_space<semaphore_mem>>) src(%dma_wait3A_40 : memref<626x64xf32, #tpu.memory_space<vmem_shared>>) dst(%dma_wait3A_38 : memref<626x64xf32, #tpu.memory_space<hbm>>)
      tpu.yield
    }) : () -> ()
    return
  }
}

module attributes {stable_mosaic.version = 14 : i64} {
  func.func @_tc_matmul_body(%arg0: i32, %arg1: memref<1024x128xf32, #tpu.memory_space<vmem>>, %arg2: memref<128x64xf32, #tpu.memory_space<vmem>>, %arg3: memref<1024x64xf32, #tpu.memory_space<vmem>>) attributes {dimension_semantics = [#tpu.dimension_semantics<arbitrary>], iteration_bounds = array<i64: 10>, scalar_prefetch = 0 : i64, scratch_operands = 0 : i64, tpu.core_type = #tpu.core_type<tc>, window_params = [{transform_indices = @transform_0, window_bounds = array<i64: 1024, 128>}, {pipeline_mode = #tpu.pipeline_mode<synchronous>, transform_indices = @transform_1, window_bounds = array<i64: 128, 64>}, {transform_indices = @transform_2, window_bounds = array<i64: 1024, 64>}]} {
    %get3A = arith.constant 0 : index
    %get3A_0 = arith.constant 0 : index
    %get3A_1 = vector.load %arg1[%get3A, %get3A_0] : memref<1024x128xf32, #tpu.memory_space<vmem>>, vector<1024x128xf32>
    %get3A_2 = arith.constant 0 : index
    %get3A_3 = arith.constant 0 : index
    %get3A_4 = vector.load %arg2[%get3A_2, %get3A_3] : memref<128x64xf32, #tpu.memory_space<vmem>>, vector<128x64xf32>
    %dot_general3A = arith.constant dense<0.000000e+00> : vector<1024x64xf32>
    %dot_general3A_5 = tpu.matmul %get3A_1, %get3A_4, %dot_general3A {dimension_numbers = #tpu.dot_dimension_numbers<[1], [0], [0], [1], [0, 0, 1, 1], [], []>, transpose_lhs_hint = false} : vector<1024x128xf32>, vector<128x64xf32>, vector<1024x64xf32> -> vector<1024x64xf32>
    %swap3A = arith.constant 0 : index
    %swap3A_6 = arith.constant 0 : index
    %swap3A_7 = vector.load %arg3[%swap3A, %swap3A_6] : memref<1024x64xf32, #tpu.memory_space<vmem>>, vector<1024x64xf32>
    tpu.vector_store %arg3[%swap3A, %swap3A_6], %dot_general3A_5 {strides = array<i32>} : memref<1024x64xf32, #tpu.memory_space<vmem>>, vector<1024x64xf32>,
    return
  }
  func.func @transform_0(%arg0: i32) -> (i32, i32) {
    %c0_i32 = arith.constant 0 : i32
    %c0_i32_0 = arith.constant 0 : i32
    return %arg0, %c0_i32 : i32, i32
  }
  func.func @transform_1(%arg0: i32) -> (i32, i32) {
    %c0_i32 = arith.constant 0 : i32
    %c0_i32_0 = arith.constant 0 : i32
    %c0_i32_1 = arith.constant 0 : i32
    return %c0_i32, %c0_i32_0 : i32, i32
  }
  func.func @transform_2(%arg0: i32) -> (i32, i32) {
    %c0_i32 = arith.constant 0 : i32
    %c0_i32_0 = arith.constant 0 : i32
    return %arg0, %c0_i32 : i32, i32
  }
}

module attributes {stable_mosaic.version = 14 : i64} {
  func.func @_tc_scale_body(%arg0: i32, %arg1: memref<1024x16xf32, #tpu.memory_space<vmem>>, %arg2: memref<1024x16xf32, #tpu.memory_space<vmem>>, %arg3: memref<1024x64xf32, #tpu.memory_space<vmem>>, %arg4: memref<1024x1xf32, #tpu.memory_space<vmem>>, %arg5: memref<1024x64xf32, #tpu.memory_space<vmem>>) attributes {dimension_semantics = [#tpu.dimension_semantics<arbitrary>], iteration_bounds = array<i64: 10>, scalar_prefetch = 0 : i64, scratch_operands = 0 : i64, tpu.core_type = #tpu.core_type<tc>, window_params = [{transform_indices = @transform_0, window_bounds = array<i64: 1024, 16>}, {transform_indices = @transform_1, window_bounds = array<i64: 1024, 16>}, {transform_indices = @transform_2, window_bounds = array<i64: 1024, 64>}, {transform_indices = @transform_3, window_bounds = array<i64: 1024, 1>}, {transform_indices = @transform_4, window_bounds = array<i64: 1024, 64>}]} {
    %get3A = arith.constant 0 : index
    %get3A_0 = arith.constant 0 : index
    %get3A_1 = vector.load %arg1[%get3A, %get3A_0] : memref<1024x16xf32, #tpu.memory_space<vmem>>, vector<1024x1xf32>
    %get3A_2 = arith.constant 0 : index
    %get3A_3 = arith.constant 0 : index
    %get3A_4 = vector.load %arg2[%get3A_2, %get3A_3] : memref<1024x16xf32, #tpu.memory_space<vmem>>, vector<1024x1xf32>
    %add3A = arith.addf %get3A_1, %get3A_4 : vector<1024x1xf32>
    %add3A_5 = arith.constant 1.000000e+00 : f32
    %add3A_6 = vector.broadcast %add3A_5 : f32 to vector<1024x1xf32>
    %add3A_7 = arith.addf %add3A, %add3A_6 : vector<1024x1xf32>
    %iota3A = tpu.iota {dimensions = array<i32: 0>} : vector<1024x1xi32>
    %mul3A = arith.constant 1024 : i32
    %mul3A_8 = arith.muli %arg0, %mul3A : i32
    %add3A_9 = vector.broadcast %mul3A_8 : i32 to vector<1024x1xi32>
    %add3A_10 = arith.addi %iota3A, %add3A_9 : vector<1024x1xi32>
    %lt3A = arith.constant 10000 : i32
    %lt3A_11 = vector.broadcast %lt3A : i32 to vector<1024x1xi32>
    %lt3A_12 = arith.cmpi slt, %add3A_10, %lt3A_11 : vector<1024x1xi32>
    %rsqrt3A = math.rsqrt %add3A_7 : vector<1024x1xf32>
    %jit3A = arith.constant 0.000000e+00 : f32
    %broadcast_in_dim3A = vector.broadcast %jit3A : f32 to vector<1024x1xf32>
    %select_n3A = arith.select %lt3A_12, %rsqrt3A, %broadcast_in_dim3A : vector<1024x1xi1>, vector<1024x1xf32>
    %swap3A = arith.constant 0 : index
    %swap3A_13 = arith.constant 0 : index
    %swap3A_14 = vector.load %arg4[%swap3A, %swap3A_13] : memref<1024x1xf32, #tpu.memory_space<vmem>>, vector<1024x1xf32>
    tpu.vector_store %arg4[%swap3A, %swap3A_13], %select_n3A {strides = array<i32>} : memref<1024x1xf32, #tpu.memory_space<vmem>>, vector<1024x1xf32>,
    %get3A_15 = arith.constant 0 : index
    %get3A_16 = arith.constant 0 : index
    %get3A_17 = vector.load %arg3[%get3A_15, %get3A_16] : memref<1024x64xf32, #tpu.memory_space<vmem>>, vector<1024x64xf32>
    %mul3A_18 = vector.broadcast %select_n3A : vector<1024x1xf32> to vector<1024x64xf32>
    %mul3A_19 = arith.mulf %get3A_17, %mul3A_18 : vector<1024x64xf32>
    %swap3A_20 = arith.constant 0 : index
    %swap3A_21 = arith.constant 0 : index
    %swap3A_22 = vector.load %arg5[%swap3A_20, %swap3A_21] : memref<1024x64xf32, #tpu.memory_space<vmem>>, vector<1024x64xf32>
    tpu.vector_store %arg5[%swap3A_20, %swap3A_21], %mul3A_19 {strides = array<i32>} : memref<1024x64xf32, #tpu.memory_space<vmem>>, vector<1024x64xf32>,
    return
  }
  func.func @transform_0(%arg0: i32) -> (i32, i32) {
    %c0_i32 = arith.constant 0 : i32
    %c0_i32_0 = arith.constant 0 : i32
    return %arg0, %c0_i32 : i32, i32
  }
  func.func @transform_1(%arg0: i32) -> (i32, i32) {
    %c0_i32 = arith.constant 0 : i32
    %c0_i32_0 = arith.constant 0 : i32
    return %arg0, %c0_i32 : i32, i32
  }
  func.func @transform_2(%arg0: i32) -> (i32, i32) {
    %c0_i32 = arith.constant 0 : i32
    %c0_i32_0 = arith.constant 0 : i32
    return %arg0, %c0_i32 : i32, i32
  }
  func.func @transform_3(%arg0: i32) -> (i32, i32) {
    %c0_i32 = arith.constant 0 : i32
    %c0_i32_0 = arith.constant 0 : i32
    return %arg0, %c0_i32 : i32, i32
  }
  func.func @transform_4(%arg0: i32) -> (i32, i32) {
    %c0_i32 = arith.constant 0 : i32
    %c0_i32_0 = arith.constant 0 : i32
    return %arg0, %c0_i32 : i32, i32
  }
}

module attributes {stable_mosaic.version = 14 : i64} {
  func.func @_tc_mid_body(%arg0: i32, %arg1: memref<1024x64xf32, #tpu.memory_space<vmem>>, %arg2: memref<1024x64xf32, #tpu.memory_space<vmem>>, %arg3: memref<1024x64xf32, #tpu.memory_space<vmem>>, %arg4: memref<1024x1xf32, #tpu.memory_space<vmem>>, %arg5: memref<1x64xf32, #tpu.memory_space<vmem>>, %arg6: memref<64x64xf32, #tpu.memory_space<vmem>>, %arg7: memref<1024x64xf32, #tpu.memory_space<vmem>>) attributes {dimension_semantics = [#tpu.dimension_semantics<arbitrary>], iteration_bounds = array<i64: 10>, scalar_prefetch = 0 : i64, scratch_operands = 0 : i64, tpu.core_type = #tpu.core_type<tc>, window_params = [{transform_indices = @transform_0, window_bounds = array<i64: 1024, 64>}, {transform_indices = @transform_1, window_bounds = array<i64: 1024, 64>}, {transform_indices = @transform_2, window_bounds = array<i64: 1024, 64>}, {transform_indices = @transform_3, window_bounds = array<i64: 1024, 1>}, {pipeline_mode = #tpu.pipeline_mode<synchronous>, transform_indices = @transform_4, window_bounds = array<i64: 1, 64>}, {pipeline_mode = #tpu.pipeline_mode<synchronous>, transform_indices = @transform_5, window_bounds = array<i64: 64, 64>}, {transform_indices = @transform_6, window_bounds = array<i64: 1024, 64>}]} {
    %get3A = arith.constant 0 : index
    %get3A_0 = arith.constant 0 : index
    %get3A_1 = vector.load %arg4[%get3A, %get3A_0] : memref<1024x1xf32, #tpu.memory_space<vmem>>, vector<1024x1xf32>
    %get3A_2 = arith.constant 0 : index
    %get3A_3 = arith.constant 0 : index
    %get3A_4 = vector.load %arg1[%get3A_2, %get3A_3] : memref<1024x64xf32, #tpu.memory_space<vmem>>, vector<1024x64xf32>
    %get3A_5 = arith.constant 0 : index
    %get3A_6 = arith.constant 0 : index
    %get3A_7 = vector.load %arg2[%get3A_5, %get3A_6] : memref<1024x64xf32, #tpu.memory_space<vmem>>, vector<1024x64xf32>
    %add3A = arith.addf %get3A_4, %get3A_7 : vector<1024x64xf32>
    %get3A_8 = arith.constant 0 : index
    %get3A_9 = arith.constant 0 : index
    %get3A_10 = vector.load %arg3[%get3A_8, %get3A_9] : memref<1024x64xf32, #tpu.memory_space<vmem>>, vector<1024x64xf32>
    %add3A_11 = arith.addf %add3A, %get3A_10 : vector<1024x64xf32>
    %mul3A = vector.broadcast %get3A_1 : vector<1024x1xf32> to vector<1024x64xf32>
    %mul3A_12 = arith.mulf %mul3A, %add3A_11 : vector<1024x64xf32>
    %get3A_13 = arith.constant 0 : index
    %get3A_14 = arith.constant 0 : index
    %get3A_15 = vector.load %arg5[%get3A_13, %get3A_14] : memref<1x64xf32, #tpu.memory_space<vmem>>, vector<1x64xf32>
    %add3A_16 = vector.broadcast %get3A_15 : vector<1x64xf32> to vector<1024x64xf32>
    %add3A_17 = arith.addf %mul3A_12, %add3A_16 : vector<1024x64xf32>
    %max3A = arith.constant 0.000000e+00 : f32
    %max3A_18 = vector.broadcast %max3A : f32 to vector<1024x64xf32>
    %max3A_19 = arith.maximumf %add3A_17, %max3A_18 : vector<1024x64xf32>
    %get3A_20 = arith.constant 0 : index
    %get3A_21 = arith.constant 0 : index
    %get3A_22 = vector.load %arg6[%get3A_20, %get3A_21] : memref<64x64xf32, #tpu.memory_space<vmem>>, vector<64x64xf32>
    %dot_general3A = arith.constant dense<0.000000e+00> : vector<1024x64xf32>
    %dot_general3A_23 = tpu.matmul %max3A_19, %get3A_22, %dot_general3A {dimension_numbers = #tpu.dot_dimension_numbers<[1], [0], [0], [1], [0, 0, 1, 1], [], []>, transpose_lhs_hint = false} : vector<1024x64xf32>, vector<64x64xf32>, vector<1024x64xf32> -> vector<1024x64xf32>
    %mul3A_24 = vector.broadcast %get3A_1 : vector<1024x1xf32> to vector<1024x64xf32>
    %mul3A_25 = arith.mulf %dot_general3A_23, %mul3A_24 : vector<1024x64xf32>
    %swap3A = arith.constant 0 : index
    %swap3A_26 = arith.constant 0 : index
    %swap3A_27 = vector.load %arg7[%swap3A, %swap3A_26] : memref<1024x64xf32, #tpu.memory_space<vmem>>, vector<1024x64xf32>
    tpu.vector_store %arg7[%swap3A, %swap3A_26], %mul3A_25 {strides = array<i32>} : memref<1024x64xf32, #tpu.memory_space<vmem>>, vector<1024x64xf32>,
    return
  }
  func.func @transform_0(%arg0: i32) -> (i32, i32) {
    %c0_i32 = arith.constant 0 : i32
    %c0_i32_0 = arith.constant 0 : i32
    return %arg0, %c0_i32 : i32, i32
  }
  func.func @transform_1(%arg0: i32) -> (i32, i32) {
    %c0_i32 = arith.constant 0 : i32
    %c0_i32_0 = arith.constant 0 : i32
    return %arg0, %c0_i32 : i32, i32
  }
  func.func @transform_2(%arg0: i32) -> (i32, i32) {
    %c0_i32 = arith.constant 0 : i32
    %c0_i32_0 = arith.constant 0 : i32
    return %arg0, %c0_i32 : i32, i32
  }
  func.func @transform_3(%arg0: i32) -> (i32, i32) {
    %c0_i32 = arith.constant 0 : i32
    %c0_i32_0 = arith.constant 0 : i32
    return %arg0, %c0_i32 : i32, i32
  }
  func.func @transform_4(%arg0: i32) -> (i32, i32) {
    %c0_i32 = arith.constant 0 : i32
    %c0_i32_0 = arith.constant 0 : i32
    %c0_i32_1 = arith.constant 0 : i32
    return %c0_i32, %c0_i32_0 : i32, i32
  }
  func.func @transform_5(%arg0: i32) -> (i32, i32) {
    %c0_i32 = arith.constant 0 : i32
    %c0_i32_0 = arith.constant 0 : i32
    %c0_i32_1 = arith.constant 0 : i32
    return %c0_i32, %c0_i32_0 : i32, i32
  }
  func.func @transform_6(%arg0: i32) -> (i32, i32) {
    %c0_i32 = arith.constant 0 : i32
    %c0_i32_0 = arith.constant 0 : i32
    return %arg0, %c0_i32 : i32, i32
  }
}

module attributes {stable_mosaic.version = 14 : i64} {
  func.func @_tc_fin_body(%arg0: i32, %arg1: memref<1000x64xf32, #tpu.memory_space<vmem>>, %arg2: memref<1000x64xf32, #tpu.memory_space<vmem>>, %arg3: memref<1000x64xf32, #tpu.memory_space<vmem>>, %arg4: memref<1000x1xf32, #tpu.memory_space<vmem>>, %arg5: memref<1x64xf32, #tpu.memory_space<vmem>>, %arg6: memref<64x4xf32, #tpu.memory_space<vmem>>, %arg7: memref<1x4xf32, #tpu.memory_space<vmem>>, %arg8: memref<1000x4xf32, #tpu.memory_space<vmem>>) attributes {dimension_semantics = [#tpu.dimension_semantics<arbitrary>], iteration_bounds = array<i64: 10>, scalar_prefetch = 0 : i64, scratch_operands = 0 : i64, tpu.core_type = #tpu.core_type<tc>, window_params = [{transform_indices = @transform_0, window_bounds = array<i64: 1000, 64>}, {transform_indices = @transform_1, window_bounds = array<i64: 1000, 64>}, {transform_indices = @transform_2, window_bounds = array<i64: 1000, 64>}, {transform_indices = @transform_3, window_bounds = array<i64: 1000, 1>}, {pipeline_mode = #tpu.pipeline_mode<synchronous>, transform_indices = @transform_4, window_bounds = array<i64: 1, 64>}, {pipeline_mode = #tpu.pipeline_mode<synchronous>, transform_indices = @transform_5, window_bounds = array<i64: 64, 4>}, {pipeline_mode = #tpu.pipeline_mode<synchronous>, transform_indices = @transform_6, window_bounds = array<i64: 1, 4>}, {transform_indices = @transform_7, window_bounds = array<i64: 1000, 4>}]} {
    %get3A = arith.constant 0 : index
    %get3A_0 = arith.constant 0 : index
    %get3A_1 = vector.load %arg4[%get3A, %get3A_0] : memref<1000x1xf32, #tpu.memory_space<vmem>>, vector<1000x1xf32>
    %get3A_2 = arith.constant 0 : index
    %get3A_3 = arith.constant 0 : index
    %get3A_4 = vector.load %arg1[%get3A_2, %get3A_3] : memref<1000x64xf32, #tpu.memory_space<vmem>>, vector<1000x64xf32>
    %get3A_5 = arith.constant 0 : index
    %get3A_6 = arith.constant 0 : index
    %get3A_7 = vector.load %arg2[%get3A_5, %get3A_6] : memref<1000x64xf32, #tpu.memory_space<vmem>>, vector<1000x64xf32>
    %add3A = arith.addf %get3A_4, %get3A_7 : vector<1000x64xf32>
    %get3A_8 = arith.constant 0 : index
    %get3A_9 = arith.constant 0 : index
    %get3A_10 = vector.load %arg3[%get3A_8, %get3A_9] : memref<1000x64xf32, #tpu.memory_space<vmem>>, vector<1000x64xf32>
    %add3A_11 = arith.addf %add3A, %get3A_10 : vector<1000x64xf32>
    %mul3A = vector.broadcast %get3A_1 : vector<1000x1xf32> to vector<1000x64xf32>
    %mul3A_12 = arith.mulf %mul3A, %add3A_11 : vector<1000x64xf32>
    %get3A_13 = arith.constant 0 : index
    %get3A_14 = arith.constant 0 : index
    %get3A_15 = vector.load %arg5[%get3A_13, %get3A_14] : memref<1x64xf32, #tpu.memory_space<vmem>>, vector<1x64xf32>
    %add3A_16 = vector.broadcast %get3A_15 : vector<1x64xf32> to vector<1000x64xf32>
    %add3A_17 = arith.addf %mul3A_12, %add3A_16 : vector<1000x64xf32>
    %max3A = arith.constant 0.000000e+00 : f32
    %max3A_18 = vector.broadcast %max3A : f32 to vector<1000x64xf32>
    %max3A_19 = arith.maximumf %add3A_17, %max3A_18 : vector<1000x64xf32>
    %get3A_20 = arith.constant 0 : index
    %get3A_21 = arith.constant 0 : index
    %get3A_22 = vector.load %arg6[%get3A_20, %get3A_21] : memref<64x4xf32, #tpu.memory_space<vmem>>, vector<64x4xf32>
    %dot_general3A = arith.constant dense<0.000000e+00> : vector<1000x4xf32>
    %dot_general3A_23 = tpu.matmul %max3A_19, %get3A_22, %dot_general3A {dimension_numbers = #tpu.dot_dimension_numbers<[1], [0], [0], [1], [0, 0, 1, 1], [], []>, transpose_lhs_hint = false} : vector<1000x64xf32>, vector<64x4xf32>, vector<1000x4xf32> -> vector<1000x4xf32>
    %get3A_24 = arith.constant 0 : index
    %get3A_25 = arith.constant 0 : index
    %get3A_26 = vector.load %arg7[%get3A_24, %get3A_25] : memref<1x4xf32, #tpu.memory_space<vmem>>, vector<1x4xf32>
    %add3A_27 = vector.broadcast %get3A_26 : vector<1x4xf32> to vector<1000x4xf32>
    %add3A_28 = arith.addf %dot_general3A_23, %add3A_27 : vector<1000x4xf32>
    %swap3A = arith.constant 0 : index
    %swap3A_29 = arith.constant 0 : index
    %swap3A_30 = vector.load %arg8[%swap3A, %swap3A_29] : memref<1000x4xf32, #tpu.memory_space<vmem>>, vector<1000x4xf32>
    tpu.vector_store %arg8[%swap3A, %swap3A_29], %add3A_28 {strides = array<i32>} : memref<1000x4xf32, #tpu.memory_space<vmem>>, vector<1000x4xf32>,
    return
  }
  func.func @transform_0(%arg0: i32) -> (i32, i32) {
    %c0_i32 = arith.constant 0 : i32
    %c0_i32_0 = arith.constant 0 : i32
    return %arg0, %c0_i32 : i32, i32
  }
  func.func @transform_1(%arg0: i32) -> (i32, i32) {
    %c0_i32 = arith.constant 0 : i32
    %c0_i32_0 = arith.constant 0 : i32
    return %arg0, %c0_i32 : i32, i32
  }
  func.func @transform_2(%arg0: i32) -> (i32, i32) {
    %c0_i32 = arith.constant 0 : i32
    %c0_i32_0 = arith.constant 0 : i32
    return %arg0, %c0_i32 : i32, i32
  }
  func.func @transform_3(%arg0: i32) -> (i32, i32) {
    %c0_i32 = arith.constant 0 : i32
    %c0_i32_0 = arith.constant 0 : i32
    return %arg0, %c0_i32 : i32, i32
  }
  func.func @transform_4(%arg0: i32) -> (i32, i32) {
    %c0_i32 = arith.constant 0 : i32
    %c0_i32_0 = arith.constant 0 : i32
    %c0_i32_1 = arith.constant 0 : i32
    return %c0_i32, %c0_i32_0 : i32, i32
  }
  func.func @transform_5(%arg0: i32) -> (i32, i32) {
    %c0_i32 = arith.constant 0 : i32
    %c0_i32_0 = arith.constant 0 : i32
    %c0_i32_1 = arith.constant 0 : i32
    return %c0_i32, %c0_i32_0 : i32, i32
  }
  func.func @transform_6(%arg0: i32) -> (i32, i32) {
    %c0_i32 = arith.constant 0 : i32
    %c0_i32_0 = arith.constant 0 : i32
    %c0_i32_1 = arith.constant 0 : i32
    return %c0_i32, %c0_i32_0 : i32, i32
  }
  func.func @transform_7(%arg0: i32) -> (i32, i32) {
    %c0_i32 = arith.constant 0 : i32
    %c0_i32_0 = arith.constant 0 : i32
    return %arg0, %c0_i32 : i32, i32
  }
}

</mosaic_0001>

<sc_bundles>
// kernel: kernel.12.cloned.1.call-start
scs
__scs_entry_jumppad:
0x0: {  	(pc) =	sbr.rel $0x88, $3  }
0x1: {  	(tag) =	ssettag $0x0;
	lr =	simm.s32 $0x1  }
0x2: {  	[smem:$0x3F99] =	sst lr;
	_ =	strace $0xD0000000  }
0x3: {  	_ = 	snop  }
0x4: {  	_ = 	snop  }
0x5: {  	_ = 	snop  }
0x6: {  	_ = 	snop  }
0x7: {  	_ = 	snop  }
__scs_overlays_trampoline_lowered:
0x8: {  	[smem:$0x3FA8] =	sst s0  }
0x9: {  	[smem:$0x3FA9] =	sst s1  }
0xa: {  	[smem:$0x3FAA] =	sst s2  }
0xb: {  	[smem:$0x3FAB] =	sst s3  }
0xc: {  	[smem:$0x3FAC] =	sst s4  }
0xd: {  	[smem:$0x3FAD] =	sst s5  }
0xe: {  	[smem:$0x3FAE] =	sst s6  }
0xf: {  	[smem:$0x3FAF] =	sst s7  }
0x10: {  	[smem:$0x3FB0] =	sst s8  }
0x11: {  	[smem:$0x3FB1] =	sst s9;
	s0 =	simm.s32 @!p0 $0x0  }
0x12: {  	s1 =	sld [smem:$0x3F97];
	s0 =	simm.s32 @p0 $0x1  }
0x13: {  	[smem:$0x3FB2] =	sst s0;
	s0 =	simm.s32 @!p1 $0x0  }
0x14: {  	s2 =	sld [smem:$0x3F96];
	s0 =	simm.s32 @p1 $0x1  }
0x15: {  	[smem:$0x3FB3] =	sst s0;
	s0 =	simm.s32 @!p2 $0x0  }
0x16: {  	s3 =	sld [smem:$0x3FDB];
	s0 =	simm.s32 @p2 $0x1  }
0x17: {  	s4 =	simm.s32 $0x1BF5;
	[smem:$0x3FB5] =	sst s0  }
0x18: {  	s0 =	sld [smem:$0x3F98];
	_ =	swait.ge [sflag:s4], $0x0  }
0x19: {  	s7 =	sld [smem:$0x3F99]  }
0x1a: {  	s8 =	sadd.s32 $0xFFFFE003, lr  }
0x1b: {  	s9 =	sadd.s32 $0xFFFFFEF7, lr;
	s5 =	simm.s32 $0xFFFFFFFF;
	p2 =	slt.u32 s8, $0xFFFFF086  }
0x1c: {  	p1 =	slt.u32 s9, $0xF7A;
	s5 =	simm.s32 @!p2 $0x0  }
0x1d: {  	s5 =	simm.s32 @p1 $0x1;
	p0 =	seq.s32 s7, s2  }
0x1e: {  	s7 =	smul.u32 @!p0 $0xF7A, s2;
	p2 =	seq.s32 @!p0 s5, $0x0  }
0x1f: {  	s9 =	smul.u32 $0xF7A, s1;
	s8 =	simm.s32 @!p0 $0x1BF5;
	p2 =	por !p2, p0  }
0x20: {  	[sflag:s8] =	ssyncset.s32 @!p0 $0xFFFFF086;
	s6 =	sadd.s32 @!p0 s3, s7;
	s7 =	simm.s32 @!p0 $0x108  }
0x21: {  	s3 =	sadd.s32 s3, s9;
	s6 =	sadd.s32 @!p0 $0x88, s6;
	s7 =	simm.s32 @p2 $0x1082  }
0x22: {  	[simem:s7], [sflag:s8] =	dma.local @!p0 [hbm:s6], $0xF7A  }
0x23: {  	s9 =	sor.u32 $0xD0000000, s2;
	s6 =	simm.s32 $0x108;
	_ =	swait.ge @!p0 [sflag:s8], $0x0  }
0x24: {  	s3 =	sadd.s32 $0x88, s3;
	s6 =	simm.s32 @!p1 $0x1082;
	[sflag:s4] =	ssyncset.s32 $0xFFFFF086  }
0x25: {  	[simem:s6], [sflag:s4] =	dma.local [hbm:s3], $0xF7A  }
0x26: {  	[smem:$0x3F99] =	sst s1;
	(tag) =	ssettag s2;
	_ =	strace s9  }
0x27: {  	s1 =	sld [smem:$0x3FA9]  }
0x28: {  	s2 =	sld [smem:$0x3FAA]  }
0x29: {  	s4 =	sld [smem:$0x3FAC]  }
0x2a: {  	p0 =	seq.s32 s5, $0x0;
	s5 =	sld [smem:$0x3FAD]  }
0x2b: {  	s6 =	sld [smem:$0x3FAE]  }
0x2c: {  	s7 =	sld [smem:$0x3FAF]  }
0x2d: {  	s3 =	simm.s32 $0x108;
	s8 =	sld [smem:$0x3FB0]  }
0x2e: {  	s3 =	simm.s32 @!p0 $0x1082;
	s9 =	sld [smem:$0x3FB1]  }
0x2f: {  	lr =	sadd.s32 s0, s3;
	s0 =	sld [smem:$0x3FA8]  }
0x30: {  	s3 =	sld [smem:$0x3FAB]  }
0x31: {  	[smem:$0x3FB4] =	sst s10  }
0x32: {  	s10 =	sld [smem:$0x3FB2];
	_ =	sdelay $0x3  }
0x33: {  	p0 =	seq.s32 s10, $0x1;
	s10 =	sld [smem:$0x3FB4];
	_ =	sdelay $0x3  }
0x34: {  	[smem:$0x3FB4] =	sst s10  }
0x35: {  	s10 =	sld [smem:$0x3FB3];
	_ =	sdelay $0x3  }
0x36: {  	p1 =	seq.s32 s10, $0x1;
	s10 =	sld [smem:$0x3FB4];
	_ =	sdelay $0x3  }
0x37: {  	[smem:$0x3FB4] =	sst s10  }
0x38: {  	s10 =	sld [smem:$0x3FB5]  }
0x39: {  	_ = 	snop;
	(pc) =	sbr.ind lr, $3  }
0x3a: {  	_ = 	snop  }
0x3b: {  	_ = 	snop  }
0x3c: {  	p2 =	seq.s32 s10, $0x1;
	s10 =	sld [smem:$0x3FB4]  }
0x3d: {  	_ =	shalt  }
0x3e: {  	_ =	shalt  }
0x3f: {  	_ =	shalt  }
0x40: {  	_ =	shalt  }
0x41: {  	_ =	shalt  }
0x42: {  	_ =	shalt  }
0x43: {  	_ =	shalt  }
0x44: {  	_ =	shalt  }
0x45: {  	_ =	shalt  }
0x46: {  	_ =	shalt  }
0x47: {  	_ =	shalt  }
0x48: {  	_ =	shalt  }
0x49: {  	_ =	shalt  }
0x4a: {  	_ =	shalt  }
0x4b: {  	_ =	shalt  }
0x4c: {  	_ =	shalt  }
0x4d: {  	_ =	shalt  }
0x4e: {  	_ =	shalt  }
0x4f: {  	_ =	shalt  }
0x50: {  	_ =	shalt  }
0x51: {  	_ =	shalt  }
0x52: {  	_ =	shalt  }
0x53: {  	_ =	shalt  }
0x54: {  	_ =	shalt  }
0x55: {  	_ =	shalt  }
0x56: {  	_ =	shalt  }
0x57: {  	_ =	shalt  }
0x58: {  	_ =	shalt  }
0x59: {  	_ =	shalt  }
0x5a: {  	_ =	shalt  }
0x5b: {  	_ =	shalt  }
0x5c: {  	_ =	shalt  }
0x5d: {  	_ =	shalt  }
0x5e: {  	_ =	shalt  }
0x5f: {  	_ =	shalt  }
0x60: {  	_ =	shalt  }
0x61: {  	_ =	shalt  }
0x62: {  	_ =	shalt  }
0x63: {  	_ =	shalt  }
0x64: {  	_ =	shalt  }
0x65: {  	_ =	shalt  }
0x66: {  	_ =	shalt  }
0x67: {  	_ =	shalt  }
0x68: {  	_ =	shalt  }
0x69: {  	_ =	shalt  }
0x6a: {  	_ =	shalt  }
0x6b: {  	_ =	shalt  }
0x6c: {  	_ =	shalt  }
0x6d: {  	_ =	shalt  }
0x6e: {  	_ =	shalt  }
0x6f: {  	_ =	shalt  }
0x70: {  	_ =	shalt  }
0x71: {  	_ =	shalt  }
0x72: {  	_ =	shalt  }
0x73: {  	_ =	shalt  }
0x74: {  	_ =	shalt  }
0x75: {  	_ =	shalt  }
0x76: {  	_ =	shalt  }
0x77: {  	_ =	shalt  }
0x78: {  	_ =	shalt  }
0x79: {  	_ =	shalt  }
0x7a: {  	_ =	shalt  }
0x7b: {  	_ =	shalt  }
0x7c: {  	_ =	shalt  }
0x7d: {  	_ =	shalt  }
0x7e: {  	_ =	shalt  }
0x7f: {  	_ =	shalt  }
0x80: {  	_ =	shalt  }
0x81: {  	_ =	shalt  }
0x82: {  	_ =	shalt  }
0x83: {  	_ =	shalt  }
0x84: {  	_ =	shalt  }
0x85: {  	_ =	shalt  }
0x86: {  	_ =	shalt  }
0x87: {  	_ =	shalt  }
.Lfunc_end0:
.L_simem_size_0:
called_computation.1_lowered:
.L_overlay_start_0:
0x88: {  	s2 =	sld [smem:$0x3FD9]  }
0x89: {  	s3 =	sld [smem:$0x3FFE];
	_ =	sdelay $0x1  }
0x8a: {  	s1 =	srdreg.scid  }
0x8b: {  	s0 =	sand.u32 $0x1, s1  }
0x8c: {  	s16 =	sshll.u32 s0, $0xA;
	s2 =	sadd.s32 s3, s2  }
0x8d: {  	s2 =	sadd.s32 s2, s16  }
0x8e: {  	[smem:$0x3FC0] =	sst s2  }
0x8f: {  	_ = 	snop  }
0x90: {  	(tm) =	ssettm $0x1  }
0x91: {  	s17 =	sld [smem:$0x3FFB];
	_ =	sdelay $0x3  }
0x92: {  	_ =	strace s17  }
0x93: {  	s2 =	sld [smem:$0x3FFC];
	_ =	sdelay $0x3  }
0x94: {  	_ =	strace s2  }
0x95: {  	s2 =	sld [smem:$0x3FFD];
	_ =	sdelay $0x3  }
0x96: {  	_ =	strace s2  }
0x97: {  	_ =	strace $0x8FFFFFFF  }
0x98: {  	s18 =	sld [smem:$0x3FDB];
	_ =	sdelay $0x1  }
0x99: {  	s19 =	simm.s32 $_scs_section_size  }
0x9a: {  	s4 =	simm.s32 $_size__tile_overlayer_lowered;
	s5 =	simm.s32 $_tile_overlayer_lowered  }
0x9b: {  	s22 =	simm.s32 $0x1BFF;
	s21 =	sshll.u32 s5, $0x1;
	s2 =	sadd.s32 s19, s18  }
0x9c: {  	s6 =	simm.s32 $0x0;
	s20 =	sshll.u32 s4, $0x1;
	s4 =	sadd.s32 s21, s2  }
0x9d: {  	[timem:s6], [sflag:s22] =	dma.local [hbm:s4], s20  }
0x9e: {  	_ =	swait.ge [sflag:s22], s20  }
0x9f: {  	s3 =	ssub.s32 $0x0, s20;
	[sflag:s22] =	ssyncset.done $0x0  }
0xa0: {  	[sflag:s22] =	ssyncadd.s32 s3;
	_ =	sdelay $0x1  }
0xa1: {  	s23 =	simm.s32 $0x1B8B  }
0xa2: {  	_ =	swait.ge [sflag:s23], $0x1  }
0xa3: {  	[sflag:s23] =	ssyncset.done $0x0  }
0xa4: {  	s25 =	simm.s32 $0x1B8E;
	s24 =	sld [smem:$0x3FFE];
	[sflag:s23] =	ssyncadd.s32 $0xFFFFFFFF  }
0xa5: {  	s26 =	simm.s32 $execute0_lowered;
	[smem:$0x3FD2] =	sst s25  }
0xa6: {  	s4 =	sshll.u32 s26, $0x1;
	_ =	strace $0x80000049;
	[dreg:$0x1] =	wrdreg $0xFFFFFFFF  }
0xa7: {  	s28 =	simm.s32 $_size_execute0_lowered;
	s2 =	sadd.s32 s2, s4;
	[dreg:$0x0] =	wrdreg $0x0  }
0xa8: {  	s4 =	sshll.u32 s28, $0x1;
	[dreg:$0x2] =	wrdreg s2  }
0xa9: {  	[dreg:$0x3] =	wrdreg s4  }
0xaa: {  	[dreg:$0x4] =	wrdreg $0xC0  }
0xab: {  	_ =	task [dreg:s6], $0x5FFFF  }
0xac: {  	[dreg:$0x1] =	wrdreg $0xFFFFFFFF  }
0xad: {  	[dreg:$0x0] =	wrdreg $0x60  }
0xae: {  	[dreg:$0x2] =	wrdreg s24  }
0xaf: {  	[dreg:$0x3] =	wrdreg $0x0  }
0xb0: {  	[dreg:$0x4] =	wrdreg $0x9C800  }
0xb1: {  	[dreg:$0x5] =	wrdreg $0x9  }
0xb2: {  	_ =	task.clear_ibuf [dreg:s6], $0x6FFFF;
	_ =	strace $0x90000049  }
0xb3: {  	s29 =	simm.s32 $0x9;
	_ =	strace $0x8000004B  }
0xb4: {  	_ =	swait.ge [sflag:s29], $0x1  }
0xb5: {  	[sflag:s29] =	ssyncadd.s32 $0xFFFFFFFF  }
0xb6: {  	_ =	strace $0x9000004B  }
0xb7: {  	_ =	sfence  }
0xb8: {  	s30 =	sld [smem:$0x0];
	_ =	sdelay $0x2  }
0xb9: {  	s31 =	sshll.u32 s1, $0xD;
	s1 =	sshrl.u32 s1, $0x2  }
0xba: {  	s3 =	sand.u32 $0x4000, s31;
	s1 =	sadd.s32 s1, s30  }
0xbb: {  	s0 =	sor.u32 s3, s0;
	s1 =	sshll.u32 s1, $0x11  }
0xbc: {  	s0 =	sor.u32 s1, s0  }
0xbd: {  	s0 =	sadd.s32 $0x8F2B, s0  }
0xbe: {  	[sflag:s0] =	ssyncadd.remote.s32 $0x1  }
0xbf: {  	_ =	sfence.sel $0xFFFF  }
0xc0: {  	[dreg:$0x0] =	wrdreg $0xFFFFFFFF;
	(pc) =	sbr.abs _section_cstart, $3  }
0xc1: {  	[dreg:$0x1] =	wrdreg $0xFFFFFFFF  }
0xc2: {  	_ =	task.clear_ibuf [dreg:s6], $0x2FFFF;
	_ =	strace $0x9FFFFFFF  }
0xc3: {  	(tm) =	ssettm $0x7FFFFFFF  }
tec
execute0_lowered:
.L_overlay_start_1:
0x0: {  	(tag) =	ssettag $0x1  }
0x1: {  	s5 =	rddreg [dreg:$0x0]  }
0x2: {  	s2 =	rddreg [dreg:$0x1]  }
0x3: {  	s3 =	rddreg [dreg:$0x2]  }
0x4: {  	s0 =	rddreg [dreg:$0x3]  }
0x5: {  	s1 =	stileid.u32;
	s6 =	srdreg.scid  }
0x6: {  	s4 =	simm.s32 $0x0;
	s12 =	simm.s32 $0x3;
	s13 =	simm.s32 $0x16100  }
0x7: {  	s17 =	simm.s32 $0x80;
	s18 =	simm.s32 $0x18900;
	s19 =	simm.s32 $0x1A900  }
0x8: {  	s20 =	simm.s32 $0x1;
	s21 =	simm.s32 $0x2;
	s22 =	simm.s32 $0x16080  }
0x9: {  	s23 =	simm.s32 $0x18800;
	s24 =	simm.s32 $0x18880;
	s25 =	simm.s32 $0x0  }
0xa: {  	s8 =	smul.u32 $0x9C80, s1;
	s6 =	sand.u32 $0x1, s6;
	[smem:$0x7FF] =	sst s4  }
0xb: {  	s14 =	sshll.u32 s1, $0x6;
	s7 =	sshll.u32 s6, $0x4;
	s9 =	smul.u32 $0xA0000, s6  }
0xc: {  	_ =	strace $0x8000004A;
	s6 =	ssub.s32 $0x2, s6;
	s14 =	sor.u32 $0x1C03, s14  }
0xd: {  	s10 =	sshrl.u32 s8, $0x3;
	s7 =	sor.u32 s1, s7;
	s11 =	sshrl.u32 s6, $0x1  }
0xe: {  	s15 =	sadd.s32 s8, s2;
	s16 =	sadd.s32 s8, s3;
	s7 =	smul.u32 $0x500, s7  }
0xf: {  	s9 =	sadd.s32 s8, s9;
	s10 =	sadd.s32 s10, s5;
	s11 =	ssub.s32 s6, s11  }
0x10: {  	s15 =	sshrl.u32 s15, $0x3;
	s16 =	sshrl.u32 s16, $0x3;
	s9 =	sshrl.u32 s9, $0x3  }
0x11: {  	s8 =	sadd.s32 $0x4D400, s10;
	s7 =	sadd.s32 s7, s5;
	s9 =	sadd.s32 s9, s5  }
0x12: {  	s5 =	sadd.s32 $0x1B400, s7;
	s6 =	sadd.s32 $0x2400, s7;
	s7 =	sadd.s32 $0x61400, s10  }
0x13: {  	s9 =	sadd.s32 $0x75400, s9;
	s10 =	smax.u32 s11, $0x1;
	s11 =	simm.s32 $0x13900  }
.LBB2_1:
0x14: {  	[tilespmem:s11], [sflag:$0x3] =	stream.linear.gather [hbm4b:s5+s4], $0x2800, $0x38;
	[tilespmem:$0x1C900] =	vst v63  }
0x15: {  	_ =	swait.ge [sflag:s12], $0x2800  }
0x16: {  	[sflag:s12] =	ssyncset.done $0x0  }
0x17: {  	[sflag:s12] =	ssyncadd.s32 $0xFFFFD800  }
0x18: {  	[tilespmem:s13], [sflag:$0x3] =	stream.linear.gather [hbm4b:s6+s4], $0x2800, $0x38;
	[tilespmem:$0x1C900] =	vst v63  }
0x19: {  	_ =	swait.ge [sflag:s12], $0x2800  }
0x1a: {  	[sflag:s12] =	ssyncset.done $0x0  }
0x1b: {  	[sflag:s12] =	ssyncadd.s32 $0xFFFFD800  }
0x1c: {  	[spmem:s15], [sflag:s14] =	dma.local [hbm:s7], $0x1390  }
0x1d: {  	_ =	swait.ge [sflag:s12], $0x1390  }
0x1e: {  	[sflag:s12] =	ssyncset.done $0x0  }
0x1f: {  	[sflag:s12] =	ssyncadd.s32 $0xFFFFEC70  }
0x20: {  	[spmem:s16], [sflag:s14] =	dma.local [hbm:s8], $0x1390  }
0x21: {  	_ =	swait.ge [sflag:s12], $0x1390  }
0x22: {  	[sflag:s12] =	ssyncset.done $0x0  }
0x23: {  	[sflag:s12] =	ssyncadd.s32 $0xFFFFEC70  }
0x24: {  	[bflag:$0x0] =	sbarrier.arrive $0xFFFF  }
0x25: {  	[bflag:$0x0] =	sbarrier.arrive $0xFFFF  }
0x26: {  	[tilespmem:s18], [sflag:$0x1] =	stream.indirect.gather [spmem:s3], $0x40, s11, s17, $0xb8;
	[tilespmem:$0x1C900] =	vst v63  }
0x27: {  	s26 =	simm.s32 $0x13980  }
0x28: {  	[tilespmem:s19], [sflag:$0x2] =	stream.indirect.gather [spmem:s3], $0x40, s26, s17, $0xb8;
	[tilespmem:$0x1C900] =	vst v63  }
0x29: {  	_ =	swait.ge [sflag:s20], $0x2000  }
0x2a: {  	[sflag:s20] =	ssyncset.done $0x0  }
0x2b: {  	s29 =	simm.s32 $0x16100;
	[sflag:s20] =	ssyncadd.s32 $0xFFFFE000  }
0x2c: {  	[spmem:s2] =	stream.indirect.scatter.add.f32 [tilespmem:s18], [sflag:$0x3], $0x40, s29, s17, $0xb8;
	[tilespmem:$0x1C900] =	vst v63  }
0x2d: {  	_ =	swait.ge [sflag:s12], $0x2000  }
0x2e: {  	[sflag:s12] =	ssyncset.done $0x0  }
0x2f: {  	s30 =	simm.s32 $0x13A00;
	[sflag:s12] =	ssyncadd.s32 $0xFFFFE000  }
0x30: {  	[tilespmem:s18], [sflag:$0x1] =	stream.indirect.gather [spmem:s3], $0x40, s30, s17, $0xb8;
	[tilespmem:$0x1C900] =	vst v63  }
0x31: {  	_ =	swait.ge [sflag:s21], $0x2000  }
0x32: {  	[sflag:s21] =	ssyncset.done $0x0  }
0x33: {  	s31 =	simm.s32 $0x16180;
	[sflag:s21] =	ssyncadd.s32 $0xFFFFE000  }
0x34: {  	[spmem:s2] =	stream.indirect.scatter.add.f32 [tilespmem:s19], [sflag:$0x3], $0x40, s31, s17, $0xb8;
	[tilespmem:$0x1C900] =	vst v63  }
0x35: {  	_ =	swait.ge [sflag:s12], $0x2000  }
0x36: {  	s28 =	simm.s32 $0x800;
	s26 =	simm.s32 $0x100;
	[sflag:s12] =	ssyncset.done $0x0  }
.LBB2_2:
0x37: {  	s29 =	sadd.s32 $0x13980, s26  }
0x38: {  	[sflag:s12] =	ssyncadd.s32 $0xFFFFE000;
	s30 =	smov.u32 s28;
	s31 =	sadd.s32 $0x400, s28  }
0x39: {  	[tilespmem:s19], [sflag:$0x2] =	stream.indirect.gather [spmem:s3], $0x40, s29, s17, $0xb8;
	[tilespmem:$0x1C900] =	vst v63  }
0x3a: {  	p0 =	sne.s32 s28, $0x9800;
	_ =	swait.ge [sflag:s20], $0x2000  }
0x3b: {  	[sflag:s20] =	ssyncset.done $0x0  }
0x3c: {  	s28 =	sadd.s32 $0x16100, s26;
	[sflag:s20] =	ssyncadd.s32 $0xFFFFE000  }
0x3d: {  	[spmem:s2] =	stream.indirect.scatter.add.f32 [tilespmem:s18], [sflag:$0x3], $0x40, s28, s17, $0xb8;
	[tilespmem:$0x1C900] =	vst v63  }
0x3e: {  	_ =	swait.ge [sflag:s12], $0x2000  }
0x3f: {  	[sflag:s12] =	ssyncset.done $0x0  }
0x40: {  	s28 =	sadd.s32 $0x13A00, s26;
	[sflag:s12] =	ssyncadd.s32 $0xFFFFE000  }
0x41: {  	[tilespmem:s18], [sflag:$0x1] =	stream.indirect.gather [spmem:s3], $0x40, s28, s17, $0xb8;
	[tilespmem:$0x1C900] =	vst v63  }
0x42: {  	_ =	swait.ge [sflag:s21], $0x2000  }
.Ltmp0:
0x43: {  	[sflag:s21] =	ssyncset.done $0x0;
	(pc) =	sbr.rel @p0 .LBB2_2-.Ltmp0, $4  }
0x44: {  	s26 =	sadd.s32 $0x16180, s26;
	[sflag:s21] =	ssyncadd.s32 $0xFFFFE000  }
0x45: {  	[spmem:s2] =	stream.indirect.scatter.add.f32 [tilespmem:s19], [sflag:$0x3], $0x40, s26, s17, $0xb8;
	[tilespmem:$0x1C900] =	vst v63  }
0x46: {  	_ =	swait.ge [sflag:s12], $0x2000  }
0x47: {  	s28 =	smov.u32 s31;
	s26 =	sshra.s32 s30, $0x2;
	[sflag:s12] =	ssyncset.done $0x0  }
0x48: {  	s28 =	sadd.s32 $0x13980, s26;
	[sflag:s12] =	ssyncadd.s32 $0xFFFFE000  }
0x49: {  	[tilespmem:s19], [sflag:$0x2] =	stream.indirect.gather [spmem:s3], $0x40, s28, s17, $0xb8;
	[tilespmem:$0x1C900] =	vst v63  }
0x4a: {  	_ =	swait.ge [sflag:s20], $0x2000  }
0x4b: {  	[sflag:s20] =	ssyncset.done $0x0  }
0x4c: {  	s29 =	sadd.s32 $0x16100, s26;
	[sflag:s20] =	ssyncadd.s32 $0xFFFFE000  }
0x4d: {  	[spmem:s2] =	stream.indirect.scatter.add.f32 [tilespmem:s18], [sflag:$0x3], $0x40, s29, s17, $0xb8;
	[tilespmem:$0x1C900] =	vst v63  }
0x4e: {  	_ =	swait.ge [sflag:s12], $0x2000  }
0x4f: {  	[sflag:s12] =	ssyncset.done $0x0  }
0x50: {  	s30 =	sadd.s32 $0x13A00, s26;
	[sflag:s12] =	ssyncadd.s32 $0xFFFFE000  }
0x51: {  	[tilespmem:s18], [sflag:$0x1] =	stream.indirect.gather [spmem:s3], $0x40, s30, s17, $0xb8;
	[tilespmem:$0x1C900] =	vst v63  }
0x52: {  	_ =	swait.ge [sflag:s21], $0x2000  }
0x53: {  	[sflag:s21] =	ssyncset.done $0x0  }
0x54: {  	s31 =	sadd.s32 $0x16180, s26;
	[sflag:s21] =	ssyncadd.s32 $0xFFFFE000  }
0x55: {  	[spmem:s2] =	stream.indirect.scatter.add.f32 [tilespmem:s19], [sflag:$0x3], $0x40, s31, s17, $0xb8;
	[tilespmem:$0x1C900] =	vst v63  }
0x56: {  	_ =	swait.ge [sflag:s12], $0x2000  }
0x57: {  	[sflag:s12] =	ssyncset.done $0x0  }
0x58: {  	[sflag:s12] =	ssyncadd.s32 $0xFFFFE000  }
0x59: {  	[tilespmem:s19], [sflag:$0x2] =	stream.indirect.gather [spmem:s3], $0x40, s22, s17, $0xb8;
	[tilespmem:$0x1C900] =	vst v63  }
0x5a: {  	_ =	swait.ge [sflag:s20], $0x2000  }
0x5b: {  	[sflag:s20] =	ssyncset.done $0x0  }
0x5c: {  	[sflag:s20] =	ssyncadd.s32 $0xFFFFE000  }
0x5d: {  	[spmem:s2] =	stream.indirect.scatter.add.f32 [tilespmem:s18], [sflag:$0x3], $0x40, s23, s17, $0xb8;
	[tilespmem:$0x1C900] =	vst v63  }
0x5e: {  	_ =	swait.ge [sflag:s12], $0x2000  }
0x5f: {  	[sflag:s12] =	ssyncset.done $0x0  }
0x60: {  	[sflag:s12] =	ssyncadd.s32 $0xFFFFE000  }
0x61: {  	_ =	swait.ge [sflag:s21], $0x2000  }
0x62: {  	[sflag:s21] =	ssyncset.done $0x0  }
0x63: {  	[sflag:s21] =	ssyncadd.s32 $0xFFFFE000  }
0x64: {  	[spmem:s2] =	stream.indirect.scatter.add.f32 [tilespmem:s19], [sflag:$0x3], $0x40, s24, s17, $0xb8;
	[tilespmem:$0x1C900] =	vst v63  }
0x65: {  	_ =	swait.ge [sflag:s12], $0x2000  }
0x66: {  	[sflag:s12] =	ssyncset.done $0x0  }
0x67: {  	s25 =	sadd.s32 $0x1, s25;
	[sflag:s12] =	ssyncadd.s32 $0xFFFFE000  }
0x68: {  	p0 =	sne.s32 s25, s10;
	[bflag:$0x0] =	sbarrier.arrive $0xFFFF  }
.Ltmp1:
0x69: {  	[bflag:$0x0] =	sbarrier.arrive $0xFFFF;
	(pc) =	sbr.rel @p0 .LBB2_1-.Ltmp1, $4  }
0x6a: {  	[hbm:s9], [sflag:s14] =	dma.local [spmem:s15], $0x1390  }
0x6b: {  	_ =	swait.ge [sflag:s12], $0x1390  }
0x6c: {  	[sflag:s12] =	ssyncset.done $0x0  }
0x6d: {  	[sflag:s12] =	ssyncadd.s32 $0xFFFFEC70  }
0x6e: {  	_ =	sfence.sel $0x180000  }
0x6f: {  	[bflag:$0x0] =	sbarrier.arrive $0xFFFF  }
0x70: {  	p0 =	sne.s32 s1, $0x0;
	_ =	strace $0x9000004A  }
0x71: {  	s0 =	sadd.s32 @!p0 $0x100000, s0;
	[bflag:$0x2] =	sbarrier.arrive $0xFFFF  }
0x72: {  	[sflag:s0] =	ssyncadd.tile.s32 @!p0 $0x1;
	_ =	shalt  }
.Lfunc_end2:
_tile_overlayer_lowered:
.L_overlay_start_2:
0x73: {  	(tag) =	ssettag $0x2  }
0x74: {  	s0 =	rddreg [dreg:$0x0];
	s2 =	stileid.u32  }
0x75: {  	s1 =	rddreg [dreg:$0x1];
	p0 =	sne.s32 s2, $0x0  }
0x76: {  	s3 =	rddreg [dreg:$0x2];
	[bflag:$0x3] =	sbarrier.arrive $0xFFFF;
	s2 =	simm.s32 @!p0 $0x1C03  }
0x77: {  	[timem:s3], [sflag:s2] =	dma.local @!p0 [hbm:s0], s1  }
0x78: {  	s0 =	simm.s32 @!p0 $0x3  }
0x79: {  	_ =	swait.ge @!p0 [sflag:s0], s1  }
0x7a: {  	s1 =	ssub.s32 @!p0 $0x0, s1;
	[sflag:s0] =	ssyncset.done @!p0 $0x0  }
0x7b: {  	[sflag:s0] =	ssyncadd.s32 @!p0 s1  }
0x7c: {  	[bflag:$0x3] =	sbarrier.arrive $0xFFFF  }
0x7d: {  	_ =	shalt  }

// kernel: kernel.15.cloned.1.call-start
scs
__scs_entry_jumppad:
0x0: {  	(pc) =	sbr.rel $0x88, $3  }
0x1: {  	(tag) =	ssettag $0x0;
	lr =	simm.s32 $0x1  }
0x2: {  	[smem:$0x3F99] =	sst lr;
	_ =	strace $0xD0000000  }
0x3: {  	_ = 	snop  }
0x4: {  	_ = 	snop  }
0x5: {  	_ = 	snop  }
0x6: {  	_ = 	snop  }
0x7: {  	_ = 	snop  }
__scs_overlays_trampoline_lowered:
0x8: {  	[smem:$0x3FA8] =	sst s0  }
0x9: {  	[smem:$0x3FA9] =	sst s1  }
0xa: {  	[smem:$0x3FAA] =	sst s2  }
0xb: {  	[smem:$0x3FAB] =	sst s3  }
0xc: {  	[smem:$0x3FAC] =	sst s4  }
0xd: {  	[smem:$0x3FAD] =	sst s5  }
0xe: {  	[smem:$0x3FAE] =	sst s6  }
0xf: {  	[smem:$0x3FAF] =	sst s7  }
0x10: {  	[smem:$0x3FB0] =	sst s8  }
0x11: {  	[smem:$0x3FB1] =	sst s9;
	s0 =	simm.s32 @!p0 $0x0  }
0x12: {  	s1 =	sld [smem:$0x3F97];
	s0 =	simm.s32 @p0 $0x1  }
0x13: {  	[smem:$0x3FB2] =	sst s0;
	s0 =	simm.s32 @!p1 $0x0  }
0x14: {  	s2 =	sld [smem:$0x3F96];
	s0 =	simm.s32 @p1 $0x1  }
0x15: {  	[smem:$0x3FB3] =	sst s0;
	s0 =	simm.s32 @!p2 $0x0  }
0x16: {  	s3 =	sld [smem:$0x3FDB];
	s0 =	simm.s32 @p2 $0x1  }
0x17: {  	s4 =	simm.s32 $0x1BF5;
	[smem:$0x3FB5] =	sst s0  }
0x18: {  	s0 =	sld [smem:$0x3F98];
	_ =	swait.ge [sflag:s4], $0x0  }
0x19: {  	s7 =	sld [smem:$0x3F99]  }
0x1a: {  	s8 =	sadd.s32 $0xFFFFE003, lr  }
0x1b: {  	s9 =	sadd.s32 $0xFFFFFEF7, lr;
	s5 =	simm.s32 $0xFFFFFFFF;
	p2 =	slt.u32 s8, $0xFFFFF086  }
0x1c: {  	p1 =	slt.u32 s9, $0xF7A;
	s5 =	simm.s32 @!p2 $0x0  }
0x1d: {  	s5 =	simm.s32 @p1 $0x1;
	p0 =	seq.s32 s7, s2  }
0x1e: {  	s7 =	smul.u32 @!p0 $0xF7A, s2;
	p2 =	seq.s32 @!p0 s5, $0x0  }
0x1f: {  	s9 =	smul.u32 $0xF7A, s1;
	s8 =	simm.s32 @!p0 $0x1BF5;
	p2 =	por !p2, p0  }
0x20: {  	[sflag:s8] =	ssyncset.s32 @!p0 $0xFFFFF086;
	s6 =	sadd.s32 @!p0 s3, s7;
	s7 =	simm.s32 @!p0 $0x108  }
0x21: {  	s3 =	sadd.s32 s3, s9;
	s6 =	sadd.s32 @!p0 $0x88, s6;
	s7 =	simm.s32 @p2 $0x1082  }
0x22: {  	[simem:s7], [sflag:s8] =	dma.local @!p0 [hbm:s6], $0xF7A  }
0x23: {  	s9 =	sor.u32 $0xD0000000, s2;
	s6 =	simm.s32 $0x108;
	_ =	swait.ge @!p0 [sflag:s8], $0x0  }
0x24: {  	s3 =	sadd.s32 $0x88, s3;
	s6 =	simm.s32 @!p1 $0x1082;
	[sflag:s4] =	ssyncset.s32 $0xFFFFF086  }
0x25: {  	[simem:s6], [sflag:s4] =	dma.local [hbm:s3], $0xF7A  }
0x26: {  	[smem:$0x3F99] =	sst s1;
	(tag) =	ssettag s2;
	_ =	strace s9  }
0x27: {  	s1 =	sld [smem:$0x3FA9]  }
0x28: {  	s2 =	sld [smem:$0x3FAA]  }
0x29: {  	s4 =	sld [smem:$0x3FAC]  }
0x2a: {  	p0 =	seq.s32 s5, $0x0;
	s5 =	sld [smem:$0x3FAD]  }
0x2b: {  	s6 =	sld [smem:$0x3FAE]  }
0x2c: {  	s7 =	sld [smem:$0x3FAF]  }
0x2d: {  	s3 =	simm.s32 $0x108;
	s8 =	sld [smem:$0x3FB0]  }
0x2e: {  	s3 =	simm.s32 @!p0 $0x1082;
	s9 =	sld [smem:$0x3FB1]  }
0x2f: {  	lr =	sadd.s32 s0, s3;
	s0 =	sld [smem:$0x3FA8]  }
0x30: {  	s3 =	sld [smem:$0x3FAB]  }
0x31: {  	[smem:$0x3FB4] =	sst s10  }
0x32: {  	s10 =	sld [smem:$0x3FB2];
	_ =	sdelay $0x3  }
0x33: {  	p0 =	seq.s32 s10, $0x1;
	s10 =	sld [smem:$0x3FB4];
	_ =	sdelay $0x3  }
0x34: {  	[smem:$0x3FB4] =	sst s10  }
0x35: {  	s10 =	sld [smem:$0x3FB3];
	_ =	sdelay $0x3  }
0x36: {  	p1 =	seq.s32 s10, $0x1;
	s10 =	sld [smem:$0x3FB4];
	_ =	sdelay $0x3  }
0x37: {  	[smem:$0x3FB4] =	sst s10  }
0x38: {  	s10 =	sld [smem:$0x3FB5]  }
0x39: {  	_ = 	snop;
	(pc) =	sbr.ind lr, $3  }
0x3a: {  	_ = 	snop  }
0x3b: {  	_ = 	snop  }
0x3c: {  	p2 =	seq.s32 s10, $0x1;
	s10 =	sld [smem:$0x3FB4]  }
0x3d: {  	_ =	shalt  }
0x3e: {  	_ =	shalt  }
0x3f: {  	_ =	shalt  }
0x40: {  	_ =	shalt  }
0x41: {  	_ =	shalt  }
0x42: {  	_ =	shalt  }
0x43: {  	_ =	shalt  }
0x44: {  	_ =	shalt  }
0x45: {  	_ =	shalt  }
0x46: {  	_ =	shalt  }
0x47: {  	_ =	shalt  }
0x48: {  	_ =	shalt  }
0x49: {  	_ =	shalt  }
0x4a: {  	_ =	shalt  }
0x4b: {  	_ =	shalt  }
0x4c: {  	_ =	shalt  }
0x4d: {  	_ =	shalt  }
0x4e: {  	_ =	shalt  }
0x4f: {  	_ =	shalt  }
0x50: {  	_ =	shalt  }
0x51: {  	_ =	shalt  }
0x52: {  	_ =	shalt  }
0x53: {  	_ =	shalt  }
0x54: {  	_ =	shalt  }
0x55: {  	_ =	shalt  }
0x56: {  	_ =	shalt  }
0x57: {  	_ =	shalt  }
0x58: {  	_ =	shalt  }
0x59: {  	_ =	shalt  }
0x5a: {  	_ =	shalt  }
0x5b: {  	_ =	shalt  }
0x5c: {  	_ =	shalt  }
0x5d: {  	_ =	shalt  }
0x5e: {  	_ =	shalt  }
0x5f: {  	_ =	shalt  }
0x60: {  	_ =	shalt  }
0x61: {  	_ =	shalt  }
0x62: {  	_ =	shalt  }
0x63: {  	_ =	shalt  }
0x64: {  	_ =	shalt  }
0x65: {  	_ =	shalt  }
0x66: {  	_ =	shalt  }
0x67: {  	_ =	shalt  }
0x68: {  	_ =	shalt  }
0x69: {  	_ =	shalt  }
0x6a: {  	_ =	shalt  }
0x6b: {  	_ =	shalt  }
0x6c: {  	_ =	shalt  }
0x6d: {  	_ =	shalt  }
0x6e: {  	_ =	shalt  }
0x6f: {  	_ =	shalt  }
0x70: {  	_ =	shalt  }
0x71: {  	_ =	shalt  }
0x72: {  	_ =	shalt  }
0x73: {  	_ =	shalt  }
0x74: {  	_ =	shalt  }
0x75: {  	_ =	shalt  }
0x76: {  	_ =	shalt  }
0x77: {  	_ =	shalt  }
0x78: {  	_ =	shalt  }
0x79: {  	_ =	shalt  }
0x7a: {  	_ =	shalt  }
0x7b: {  	_ =	shalt  }
0x7c: {  	_ =	shalt  }
0x7d: {  	_ =	shalt  }
0x7e: {  	_ =	shalt  }
0x7f: {  	_ =	shalt  }
0x80: {  	_ =	shalt  }
0x81: {  	_ =	shalt  }
0x82: {  	_ =	shalt  }
0x83: {  	_ =	shalt  }
0x84: {  	_ =	shalt  }
0x85: {  	_ =	shalt  }
0x86: {  	_ =	shalt  }
0x87: {  	_ =	shalt  }
.Lfunc_end0:
.L_simem_size_0:
called_computation.2_lowered:
.L_overlay_start_0:
0x88: {  	s2 =	sld [smem:$0x3FD9]  }
0x89: {  	s3 =	sld [smem:$0x3FFE];
	_ =	sdelay $0x1  }
0x8a: {  	s1 =	srdreg.scid  }
0x8b: {  	s0 =	sand.u32 $0x1, s1  }
0x8c: {  	s16 =	sshll.u32 s0, $0xA;
	s2 =	sadd.s32 s3, s2  }
0x8d: {  	s2 =	sadd.s32 s2, s16  }
0x8e: {  	[smem:$0x3FC0] =	sst s2  }
0x8f: {  	_ = 	snop  }
0x90: {  	(tm) =	ssettm $0x1  }
0x91: {  	s17 =	sld [smem:$0x3FFB];
	_ =	sdelay $0x3  }
0x92: {  	_ =	strace s17  }
0x93: {  	s2 =	sld [smem:$0x3FFC];
	_ =	sdelay $0x3  }
0x94: {  	_ =	strace s2  }
0x95: {  	s2 =	sld [smem:$0x3FFD];
	_ =	sdelay $0x3  }
0x96: {  	_ =	strace s2  }
0x97: {  	_ =	strace $0x8FFFFFFF  }
0x98: {  	s18 =	sld [smem:$0x3FDB];
	_ =	sdelay $0x1  }
0x99: {  	s19 =	simm.s32 $_scs_section_size  }
0x9a: {  	s4 =	simm.s32 $_size__tile_overlayer_lowered;
	s5 =	simm.s32 $_tile_overlayer_lowered  }
0x9b: {  	s22 =	simm.s32 $0x1BFF;
	s21 =	sshll.u32 s5, $0x1;
	s2 =	sadd.s32 s19, s18  }
0x9c: {  	s6 =	simm.s32 $0x0;
	s20 =	sshll.u32 s4, $0x1;
	s4 =	sadd.s32 s21, s2  }
0x9d: {  	[timem:s6], [sflag:s22] =	dma.local [hbm:s4], s20  }
0x9e: {  	_ =	swait.ge [sflag:s22], s20  }
0x9f: {  	s3 =	ssub.s32 $0x0, s20;
	[sflag:s22] =	ssyncset.done $0x0  }
0xa0: {  	[sflag:s22] =	ssyncadd.s32 s3;
	_ =	sdelay $0x1  }
0xa1: {  	s23 =	simm.s32 $0x1B8B  }
0xa2: {  	_ =	swait.ge [sflag:s23], $0x1  }
0xa3: {  	[sflag:s23] =	ssyncset.done $0x0  }
0xa4: {  	s25 =	simm.s32 $0x1B8E;
	s24 =	sld [smem:$0x3FFE];
	[sflag:s23] =	ssyncadd.s32 $0xFFFFFFFF  }
0xa5: {  	s26 =	simm.s32 $execute0_lowered;
	[smem:$0x3FD2] =	sst s25  }
0xa6: {  	s4 =	sshll.u32 s26, $0x1;
	_ =	strace $0x8000004C;
	[dreg:$0x1] =	wrdreg $0xFFFFFFFF  }
0xa7: {  	s28 =	simm.s32 $_size_execute0_lowered;
	s2 =	sadd.s32 s2, s4;
	[dreg:$0x0] =	wrdreg $0x0  }
0xa8: {  	s4 =	sshll.u32 s28, $0x1;
	[dreg:$0x2] =	wrdreg s2  }
0xa9: {  	[dreg:$0x3] =	wrdreg s4  }
0xaa: {  	[dreg:$0x4] =	wrdreg $0xC0  }
0xab: {  	_ =	task [dreg:s6], $0x5FFFF  }
0xac: {  	[dreg:$0x1] =	wrdreg $0xFFFFFFFF  }
0xad: {  	[dreg:$0x0] =	wrdreg $0x60  }
0xae: {  	[dreg:$0x2] =	wrdreg s24  }
0xaf: {  	[dreg:$0x3] =	wrdreg $0x0  }
0xb0: {  	[dreg:$0x4] =	wrdreg $0x9C800  }
0xb1: {  	[dreg:$0x5] =	wrdreg $0x9  }
0xb2: {  	_ =	task.clear_ibuf [dreg:s6], $0x6FFFF;
	_ =	strace $0x9000004C  }
0xb3: {  	s29 =	simm.s32 $0x9;
	_ =	strace $0x8000004E  }
0xb4: {  	_ =	swait.ge [sflag:s29], $0x1  }
0xb5: {  	[sflag:s29] =	ssyncadd.s32 $0xFFFFFFFF  }
0xb6: {  	_ =	strace $0x9000004E  }
0xb7: {  	_ =	sfence  }
0xb8: {  	s30 =	sld [smem:$0x0];
	_ =	sdelay $0x2  }
0xb9: {  	s31 =	sshll.u32 s1, $0xD;
	s1 =	sshrl.u32 s1, $0x2  }
0xba: {  	s3 =	sand.u32 $0x4000, s31;
	s1 =	sadd.s32 s1, s30  }
0xbb: {  	s0 =	sor.u32 s3, s0;
	s1 =	sshll.u32 s1, $0x11  }
0xbc: {  	s0 =	sor.u32 s1, s0  }
0xbd: {  	s0 =	sadd.s32 $0x8F2B, s0  }
0xbe: {  	[sflag:s0] =	ssyncadd.remote.s32 $0x1  }
0xbf: {  	_ =	sfence.sel $0xFFFF  }
0xc0: {  	[dreg:$0x0] =	wrdreg $0xFFFFFFFF;
	(pc) =	sbr.abs _section_cstart, $3  }
0xc1: {  	[dreg:$0x1] =	wrdreg $0xFFFFFFFF  }
0xc2: {  	_ =	task.clear_ibuf [dreg:s6], $0x2FFFF;
	_ =	strace $0x9FFFFFFF  }
0xc3: {  	(tm) =	ssettm $0x7FFFFFFF  }
tec
execute0_lowered:
.L_overlay_start_1:
0x0: {  	(tag) =	ssettag $0x1  }
0x1: {  	s5 =	rddreg [dreg:$0x0]  }
0x2: {  	s2 =	rddreg [dreg:$0x1]  }
0x3: {  	s3 =	rddreg [dreg:$0x2]  }
0x4: {  	s0 =	rddreg [dreg:$0x3]  }
0x5: {  	s1 =	stileid.u32;
	s6 =	srdreg.scid  }
0x6: {  	s4 =	simm.s32 $0x0;
	s12 =	simm.s32 $0x3;
	s13 =	simm.s32 $0x16100  }
0x7: {  	s17 =	simm.s32 $0x80;
	s18 =	simm.s32 $0x18900;
	s19 =	simm.s32 $0x1A900  }
0x8: {  	s20 =	simm.s32 $0x1;
	s21 =	simm.s32 $0x2;
	s22 =	simm.s32 $0x16080  }
0x9: {  	s23 =	simm.s32 $0x18800;
	s24 =	simm.s32 $0x18880;
	s25 =	simm.s32 $0x0  }
0xa: {  	s8 =	smul.u32 $0x9C80, s1;
	s6 =	sand.u32 $0x1, s6;
	[smem:$0x7FF] =	sst s4  }
0xb: {  	s14 =	sshll.u32 s1, $0x6;
	s7 =	sshll.u32 s6, $0x4;
	s9 =	smul.u32 $0xA0000, s6  }
0xc: {  	_ =	strace $0x8000004D;
	s6 =	ssub.s32 $0x2, s6;
	s14 =	sor.u32 $0x1C03, s14  }
0xd: {  	s10 =	sshrl.u32 s8, $0x3;
	s7 =	sor.u32 s1, s7;
	s11 =	sshrl.u32 s6, $0x1  }
0xe: {  	s15 =	sadd.s32 s8, s2;
	s16 =	sadd.s32 s8, s3;
	s7 =	smul.u32 $0x500, s7  }
0xf: {  	s9 =	sadd.s32 s8, s9;
	s10 =	sadd.s32 s10, s5;
	s11 =	ssub.s32 s6, s11  }
0x10: {  	s15 =	sshrl.u32 s15, $0x3;
	s16 =	sshrl.u32 s16, $0x3;
	s9 =	sshrl.u32 s9, $0x3  }
0x11: {  	s8 =	sadd.s32 $0x4D400, s10;
	s7 =	sadd.s32 s7, s5;
	s9 =	sadd.s32 s9, s5  }
0x12: {  	s5 =	sadd.s32 $0x1B400, s7;
	s6 =	sadd.s32 $0x2400, s7;
	s7 =	sadd.s32 $0x61400, s10  }
0x13: {  	s9 =	sadd.s32 $0x75400, s9;
	s10 =	smax.u32 s11, $0x1;
	s11 =	simm.s32 $0x13900  }
.LBB2_1:
0x14: {  	[tilespmem:s11], [sflag:$0x3] =	stream.linear.gather [hbm4b:s5+s4], $0x2800, $0x38;
	[tilespmem:$0x1C900] =	vst v63  }
0x15: {  	_ =	swait.ge [sflag:s12], $0x2800  }
0x16: {  	[sflag:s12] =	ssyncset.done $0x0  }
0x17: {  	[sflag:s12] =	ssyncadd.s32 $0xFFFFD800  }
0x18: {  	[tilespmem:s13], [sflag:$0x3] =	stream.linear.gather [hbm4b:s6+s4], $0x2800, $0x38;
	[tilespmem:$0x1C900] =	vst v63  }
0x19: {  	_ =	swait.ge [sflag:s12], $0x2800  }
0x1a: {  	[sflag:s12] =	ssyncset.done $0x0  }
0x1b: {  	[sflag:s12] =	ssyncadd.s32 $0xFFFFD800  }
0x1c: {  	[spmem:s15], [sflag:s14] =	dma.local [hbm:s7], $0x1390  }
0x1d: {  	_ =	swait.ge [sflag:s12], $0x1390  }
0x1e: {  	[sflag:s12] =	ssyncset.done $0x0  }
0x1f: {  	[sflag:s12] =	ssyncadd.s32 $0xFFFFEC70  }
0x20: {  	[spmem:s16], [sflag:s14] =	dma.local [hbm:s8], $0x1390  }
0x21: {  	_ =	swait.ge [sflag:s12], $0x1390  }
0x22: {  	[sflag:s12] =	ssyncset.done $0x0  }
0x23: {  	[sflag:s12] =	ssyncadd.s32 $0xFFFFEC70  }
0x24: {  	[bflag:$0x0] =	sbarrier.arrive $0xFFFF  }
0x25: {  	[bflag:$0x0] =	sbarrier.arrive $0xFFFF  }
0x26: {  	[tilespmem:s18], [sflag:$0x1] =	stream.indirect.gather [spmem:s3], $0x40, s11, s17, $0xb8;
	[tilespmem:$0x1C900] =	vst v63  }
0x27: {  	s26 =	simm.s32 $0x13980  }
0x28: {  	[tilespmem:s19], [sflag:$0x2] =	stream.indirect.gather [spmem:s3], $0x40, s26, s17, $0xb8;
	[tilespmem:$0x1C900] =	vst v63  }
0x29: {  	_ =	swait.ge [sflag:s20], $0x2000  }
0x2a: {  	[sflag:s20] =	ssyncset.done $0x0  }
0x2b: {  	s29 =	simm.s32 $0x16100;
	[sflag:s20] =	ssyncadd.s32 $0xFFFFE000  }
0x2c: {  	[spmem:s2] =	stream.indirect.scatter.add.f32 [tilespmem:s18], [sflag:$0x3], $0x40, s29, s17, $0xb8;
	[tilespmem:$0x1C900] =	vst v63  }
0x2d: {  	_ =	swait.ge [sflag:s12], $0x2000  }
0x2e: {  	[sflag:s12] =	ssyncset.done $0x0  }
0x2f: {  	s30 =	simm.s32 $0x13A00;
	[sflag:s12] =	ssyncadd.s32 $0xFFFFE000  }
0x30: {  	[tilespmem:s18], [sflag:$0x1] =	stream.indirect.gather [spmem:s3], $0x40, s30, s17, $0xb8;
	[tilespmem:$0x1C900] =	vst v63  }
0x31: {  	_ =	swait.ge [sflag:s21], $0x2000  }
0x32: {  	[sflag:s21] =	ssyncset.done $0x0  }
0x33: {  	s31 =	simm.s32 $0x16180;
	[sflag:s21] =	ssyncadd.s32 $0xFFFFE000  }
0x34: {  	[spmem:s2] =	stream.indirect.scatter.add.f32 [tilespmem:s19], [sflag:$0x3], $0x40, s31, s17, $0xb8;
	[tilespmem:$0x1C900] =	vst v63  }
0x35: {  	_ =	swait.ge [sflag:s12], $0x2000  }
0x36: {  	s28 =	simm.s32 $0x800;
	s26 =	simm.s32 $0x100;
	[sflag:s12] =	ssyncset.done $0x0  }
.LBB2_2:
0x37: {  	s29 =	sadd.s32 $0x13980, s26  }
0x38: {  	[sflag:s12] =	ssyncadd.s32 $0xFFFFE000;
	s30 =	smov.u32 s28;
	s31 =	sadd.s32 $0x400, s28  }
0x39: {  	[tilespmem:s19], [sflag:$0x2] =	stream.indirect.gather [spmem:s3], $0x40, s29, s17, $0xb8;
	[tilespmem:$0x1C900] =	vst v63  }
0x3a: {  	p0 =	sne.s32 s28, $0x9800;
	_ =	swait.ge [sflag:s20], $0x2000  }
0x3b: {  	[sflag:s20] =	ssyncset.done $0x0  }
0x3c: {  	s28 =	sadd.s32 $0x16100, s26;
	[sflag:s20] =	ssyncadd.s32 $0xFFFFE000  }
0x3d: {  	[spmem:s2] =	stream.indirect.scatter.add.f32 [tilespmem:s18], [sflag:$0x3], $0x40, s28, s17, $0xb8;
	[tilespmem:$0x1C900] =	vst v63  }
0x3e: {  	_ =	swait.ge [sflag:s12], $0x2000  }
0x3f: {  	[sflag:s12] =	ssyncset.done $0x0  }
0x40: {  	s28 =	sadd.s32 $0x13A00, s26;
	[sflag:s12] =	ssyncadd.s32 $0xFFFFE000  }
0x41: {  	[tilespmem:s18], [sflag:$0x1] =	stream.indirect.gather [spmem:s3], $0x40, s28, s17, $0xb8;
	[tilespmem:$0x1C900] =	vst v63  }
0x42: {  	_ =	swait.ge [sflag:s21], $0x2000  }
.Ltmp0:
0x43: {  	[sflag:s21] =	ssyncset.done $0x0;
	(pc) =	sbr.rel @p0 .LBB2_2-.Ltmp0, $4  }
0x44: {  	s26 =	sadd.s32 $0x16180, s26;
	[sflag:s21] =	ssyncadd.s32 $0xFFFFE000  }
0x45: {  	[spmem:s2] =	stream.indirect.scatter.add.f32 [tilespmem:s19], [sflag:$0x3], $0x40, s26, s17, $0xb8;
	[tilespmem:$0x1C900] =	vst v63  }
0x46: {  	_ =	swait.ge [sflag:s12], $0x2000  }
0x47: {  	s28 =	smov.u32 s31;
	s26 =	sshra.s32 s30, $0x2;
	[sflag:s12] =	ssyncset.done $0x0  }
0x48: {  	s28 =	sadd.s32 $0x13980, s26;
	[sflag:s12] =	ssyncadd.s32 $0xFFFFE000  }
0x49: {  	[tilespmem:s19], [sflag:$0x2] =	stream.indirect.gather [spmem:s3], $0x40, s28, s17, $0xb8;
	[tilespmem:$0x1C900] =	vst v63  }
0x4a: {  	_ =	swait.ge [sflag:s20], $0x2000  }
0x4b: {  	[sflag:s20] =	ssyncset.done $0x0  }
0x4c: {  	s29 =	sadd.s32 $0x16100, s26;
	[sflag:s20] =	ssyncadd.s32 $0xFFFFE000  }
0x4d: {  	[spmem:s2] =	stream.indirect.scatter.add.f32 [tilespmem:s18], [sflag:$0x3], $0x40, s29, s17, $0xb8;
	[tilespmem:$0x1C900] =	vst v63  }
0x4e: {  	_ =	swait.ge [sflag:s12], $0x2000  }
0x4f: {  	[sflag:s12] =	ssyncset.done $0x0  }
0x50: {  	s30 =	sadd.s32 $0x13A00, s26;
	[sflag:s12] =	ssyncadd.s32 $0xFFFFE000  }
0x51: {  	[tilespmem:s18], [sflag:$0x1] =	stream.indirect.gather [spmem:s3], $0x40, s30, s17, $0xb8;
	[tilespmem:$0x1C900] =	vst v63  }
0x52: {  	_ =	swait.ge [sflag:s21], $0x2000  }
0x53: {  	[sflag:s21] =	ssyncset.done $0x0  }
0x54: {  	s31 =	sadd.s32 $0x16180, s26;
	[sflag:s21] =	ssyncadd.s32 $0xFFFFE000  }
0x55: {  	[spmem:s2] =	stream.indirect.scatter.add.f32 [tilespmem:s19], [sflag:$0x3], $0x40, s31, s17, $0xb8;
	[tilespmem:$0x1C900] =	vst v63  }
0x56: {  	_ =	swait.ge [sflag:s12], $0x2000  }
0x57: {  	[sflag:s12] =	ssyncset.done $0x0  }
0x58: {  	[sflag:s12] =	ssyncadd.s32 $0xFFFFE000  }
0x59: {  	[tilespmem:s19], [sflag:$0x2] =	stream.indirect.gather [spmem:s3], $0x40, s22, s17, $0xb8;
	[tilespmem:$0x1C900] =	vst v63  }
0x5a: {  	_ =	swait.ge [sflag:s20], $0x2000  }
0x5b: {  	[sflag:s20] =	ssyncset.done $0x0  }
0x5c: {  	[sflag:s20] =	ssyncadd.s32 $0xFFFFE000  }
0x5d: {  	[spmem:s2] =	stream.indirect.scatter.add.f32 [tilespmem:s18], [sflag:$0x3], $0x40, s23, s17, $0xb8;
	[tilespmem:$0x1C900] =	vst v63  }
0x5e: {  	_ =	swait.ge [sflag:s12], $0x2000  }
0x5f: {  	[sflag:s12] =	ssyncset.done $0x0  }
0x60: {  	[sflag:s12] =	ssyncadd.s32 $0xFFFFE000  }
0x61: {  	_ =	swait.ge [sflag:s21], $0x2000  }
0x62: {  	[sflag:s21] =	ssyncset.done $0x0  }
0x63: {  	[sflag:s21] =	ssyncadd.s32 $0xFFFFE000  }
0x64: {  	[spmem:s2] =	stream.indirect.scatter.add.f32 [tilespmem:s19], [sflag:$0x3], $0x40, s24, s17, $0xb8;
	[tilespmem:$0x1C900] =	vst v63  }
0x65: {  	_ =	swait.ge [sflag:s12], $0x2000  }
0x66: {  	[sflag:s12] =	ssyncset.done $0x0  }
0x67: {  	s25 =	sadd.s32 $0x1, s25;
	[sflag:s12] =	ssyncadd.s32 $0xFFFFE000  }
0x68: {  	p0 =	sne.s32 s25, s10;
	[bflag:$0x0] =	sbarrier.arrive $0xFFFF  }
.Ltmp1:
0x69: {  	[bflag:$0x0] =	sbarrier.arrive $0xFFFF;
	(pc) =	sbr.rel @p0 .LBB2_1-.Ltmp1, $4  }
0x6a: {  	[hbm:s9], [sflag:s14] =	dma.local [spmem:s15], $0x1390  }
0x6b: {  	_ =	swait.ge [sflag:s12], $0x1390  }
0x6c: {  	[sflag:s12] =	ssyncset.done $0x0  }
0x6d: {  	[sflag:s12] =	ssyncadd.s32 $0xFFFFEC70  }
0x6e: {  	_ =	sfence.sel $0x180000  }
0x6f: {  	[bflag:$0x0] =	sbarrier.arrive $0xFFFF  }
0x70: {  	p0 =	sne.s32 s1, $0x0;
	_ =	strace $0x9000004D  }
0x71: {  	s0 =	sadd.s32 @!p0 $0x100000, s0;
	[bflag:$0x2] =	sbarrier.arrive $0xFFFF  }
0x72: {  	[sflag:s0] =	ssyncadd.tile.s32 @!p0 $0x1;
	_ =	shalt  }
.Lfunc_end2:
_tile_overlayer_lowered:
.L_overlay_start_2:
0x73: {  	(tag) =	ssettag $0x2  }
0x74: {  	s0 =	rddreg [dreg:$0x0];
	s2 =	stileid.u32  }
0x75: {  	s1 =	rddreg [dreg:$0x1];
	p0 =	sne.s32 s2, $0x0  }
0x76: {  	s3 =	rddreg [dreg:$0x2];
	[bflag:$0x3] =	sbarrier.arrive $0xFFFF;
	s2 =	simm.s32 @!p0 $0x1C03  }
0x77: {  	[timem:s3], [sflag:s2] =	dma.local @!p0 [hbm:s0], s1  }
0x78: {  	s0 =	simm.s32 @!p0 $0x3  }
0x79: {  	_ =	swait.ge @!p0 [sflag:s0], s1  }
0x7a: {  	s1 =	ssub.s32 @!p0 $0x0, s1;
	[sflag:s0] =	ssyncset.done @!p0 $0x0  }
0x7b: {  	[sflag:s0] =	ssyncadd.s32 @!p0 s1  }
0x7c: {  	[bflag:$0x3] =	sbarrier.arrive $0xFFFF  }
0x7d: {  	_ =	shalt  }

// kernel: kernel.9.cloned.1.call-start
scs
__scs_entry_jumppad:
0x0: {  	(pc) =	sbr.rel $0x88, $3  }
0x1: {  	(tag) =	ssettag $0x0;
	lr =	simm.s32 $0x1  }
0x2: {  	[smem:$0x3F99] =	sst lr;
	_ =	strace $0xD0000000  }
0x3: {  	_ = 	snop  }
0x4: {  	_ = 	snop  }
0x5: {  	_ = 	snop  }
0x6: {  	_ = 	snop  }
0x7: {  	_ = 	snop  }
__scs_overlays_trampoline_lowered:
0x8: {  	[smem:$0x3FA8] =	sst s0  }
0x9: {  	[smem:$0x3FA9] =	sst s1  }
0xa: {  	[smem:$0x3FAA] =	sst s2  }
0xb: {  	[smem:$0x3FAB] =	sst s3  }
0xc: {  	[smem:$0x3FAC] =	sst s4  }
0xd: {  	[smem:$0x3FAD] =	sst s5  }
0xe: {  	[smem:$0x3FAE] =	sst s6  }
0xf: {  	[smem:$0x3FAF] =	sst s7  }
0x10: {  	[smem:$0x3FB0] =	sst s8  }
0x11: {  	[smem:$0x3FB1] =	sst s9;
	s0 =	simm.s32 @!p0 $0x0  }
0x12: {  	s1 =	sld [smem:$0x3F97];
	s0 =	simm.s32 @p0 $0x1  }
0x13: {  	[smem:$0x3FB2] =	sst s0;
	s0 =	simm.s32 @!p1 $0x0  }
0x14: {  	s2 =	sld [smem:$0x3F96];
	s0 =	simm.s32 @p1 $0x1  }
0x15: {  	[smem:$0x3FB3] =	sst s0;
	s0 =	simm.s32 @!p2 $0x0  }
0x16: {  	s3 =	sld [smem:$0x3FDB];
	s0 =	simm.s32 @p2 $0x1  }
0x17: {  	s4 =	simm.s32 $0x1BF5;
	[smem:$0x3FB5] =	sst s0  }
0x18: {  	s0 =	sld [smem:$0x3F98];
	_ =	swait.ge [sflag:s4], $0x0  }
0x19: {  	s7 =	sld [smem:$0x3F99]  }
0x1a: {  	s8 =	sadd.s32 $0xFFFFE003, lr  }
0x1b: {  	s9 =	sadd.s32 $0xFFFFFEF7, lr;
	s5 =	simm.s32 $0xFFFFFFFF;
	p2 =	slt.u32 s8, $0xFFFFF086  }
0x1c: {  	p1 =	slt.u32 s9, $0xF7A;
	s5 =	simm.s32 @!p2 $0x0  }
0x1d: {  	s5 =	simm.s32 @p1 $0x1;
	p0 =	seq.s32 s7, s2  }
0x1e: {  	s7 =	smul.u32 @!p0 $0xF7A, s2;
	p2 =	seq.s32 @!p0 s5, $0x0  }
0x1f: {  	s9 =	smul.u32 $0xF7A, s1;
	s8 =	simm.s32 @!p0 $0x1BF5;
	p2 =	por !p2, p0  }
0x20: {  	[sflag:s8] =	ssyncset.s32 @!p0 $0xFFFFF086;
	s6 =	sadd.s32 @!p0 s3, s7;
	s7 =	simm.s32 @!p0 $0x108  }
0x21: {  	s3 =	sadd.s32 s3, s9;
	s6 =	sadd.s32 @!p0 $0x88, s6;
	s7 =	simm.s32 @p2 $0x1082  }
0x22: {  	[simem:s7], [sflag:s8] =	dma.local @!p0 [hbm:s6], $0xF7A  }
0x23: {  	s9 =	sor.u32 $0xD0000000, s2;
	s6 =	simm.s32 $0x108;
	_ =	swait.ge @!p0 [sflag:s8], $0x0  }
0x24: {  	s3 =	sadd.s32 $0x88, s3;
	s6 =	simm.s32 @!p1 $0x1082;
	[sflag:s4] =	ssyncset.s32 $0xFFFFF086  }
0x25: {  	[simem:s6], [sflag:s4] =	dma.local [hbm:s3], $0xF7A  }
0x26: {  	[smem:$0x3F99] =	sst s1;
	(tag) =	ssettag s2;
	_ =	strace s9  }
0x27: {  	s1 =	sld [smem:$0x3FA9]  }
0x28: {  	s2 =	sld [smem:$0x3FAA]  }
0x29: {  	s4 =	sld [smem:$0x3FAC]  }
0x2a: {  	p0 =	seq.s32 s5, $0x0;
	s5 =	sld [smem:$0x3FAD]  }
0x2b: {  	s6 =	sld [smem:$0x3FAE]  }
0x2c: {  	s7 =	sld [smem:$0x3FAF]  }
0x2d: {  	s3 =	simm.s32 $0x108;
	s8 =	sld [smem:$0x3FB0]  }
0x2e: {  	s3 =	simm.s32 @!p0 $0x1082;
	s9 =	sld [smem:$0x3FB1]  }
0x2f: {  	lr =	sadd.s32 s0, s3;
	s0 =	sld [smem:$0x3FA8]  }
0x30: {  	s3 =	sld [smem:$0x3FAB]  }
0x31: {  	[smem:$0x3FB4] =	sst s10  }
0x32: {  	s10 =	sld [smem:$0x3FB2];
	_ =	sdelay $0x3  }
0x33: {  	p0 =	seq.s32 s10, $0x1;
	s10 =	sld [smem:$0x3FB4];
	_ =	sdelay $0x3  }
0x34: {  	[smem:$0x3FB4] =	sst s10  }
0x35: {  	s10 =	sld [smem:$0x3FB3];
	_ =	sdelay $0x3  }
0x36: {  	p1 =	seq.s32 s10, $0x1;
	s10 =	sld [smem:$0x3FB4];
	_ =	sdelay $0x3  }
0x37: {  	[smem:$0x3FB4] =	sst s10  }
0x38: {  	s10 =	sld [smem:$0x3FB5]  }
0x39: {  	_ = 	snop;
	(pc) =	sbr.ind lr, $3  }
0x3a: {  	_ = 	snop  }
0x3b: {  	_ = 	snop  }
0x3c: {  	p2 =	seq.s32 s10, $0x1;
	s10 =	sld [smem:$0x3FB4]  }
0x3d: {  	_ =	shalt  }
0x3e: {  	_ =	shalt  }
0x3f: {  	_ =	shalt  }
0x40: {  	_ =	shalt  }
0x41: {  	_ =	shalt  }
0x42: {  	_ =	shalt  }
0x43: {  	_ =	shalt  }
0x44: {  	_ =	shalt  }
0x45: {  	_ =	shalt  }
0x46: {  	_ =	shalt  }
0x47: {  	_ =	shalt  }
0x48: {  	_ =	shalt  }
0x49: {  	_ =	shalt  }
0x4a: {  	_ =	shalt  }
0x4b: {  	_ =	shalt  }
0x4c: {  	_ =	shalt  }
0x4d: {  	_ =	shalt  }
0x4e: {  	_ =	shalt  }
0x4f: {  	_ =	shalt  }
0x50: {  	_ =	shalt  }
0x51: {  	_ =	shalt  }
0x52: {  	_ =	shalt  }
0x53: {  	_ =	shalt  }
0x54: {  	_ =	shalt  }
0x55: {  	_ =	shalt  }
0x56: {  	_ =	shalt  }
0x57: {  	_ =	shalt  }
0x58: {  	_ =	shalt  }
0x59: {  	_ =	shalt  }
0x5a: {  	_ =	shalt  }
0x5b: {  	_ =	shalt  }
0x5c: {  	_ =	shalt  }
0x5d: {  	_ =	shalt  }
0x5e: {  	_ =	shalt  }
0x5f: {  	_ =	shalt  }
0x60: {  	_ =	shalt  }
0x61: {  	_ =	shalt  }
0x62: {  	_ =	shalt  }
0x63: {  	_ =	shalt  }
0x64: {  	_ =	shalt  }
0x65: {  	_ =	shalt  }
0x66: {  	_ =	shalt  }
0x67: {  	_ =	shalt  }
0x68: {  	_ =	shalt  }
0x69: {  	_ =	shalt  }
0x6a: {  	_ =	shalt  }
0x6b: {  	_ =	shalt  }
0x6c: {  	_ =	shalt  }
0x6d: {  	_ =	shalt  }
0x6e: {  	_ =	shalt  }
0x6f: {  	_ =	shalt  }
0x70: {  	_ =	shalt  }
0x71: {  	_ =	shalt  }
0x72: {  	_ =	shalt  }
0x73: {  	_ =	shalt  }
0x74: {  	_ =	shalt  }
0x75: {  	_ =	shalt  }
0x76: {  	_ =	shalt  }
0x77: {  	_ =	shalt  }
0x78: {  	_ =	shalt  }
0x79: {  	_ =	shalt  }
0x7a: {  	_ =	shalt  }
0x7b: {  	_ =	shalt  }
0x7c: {  	_ =	shalt  }
0x7d: {  	_ =	shalt  }
0x7e: {  	_ =	shalt  }
0x7f: {  	_ =	shalt  }
0x80: {  	_ =	shalt  }
0x81: {  	_ =	shalt  }
0x82: {  	_ =	shalt  }
0x83: {  	_ =	shalt  }
0x84: {  	_ =	shalt  }
0x85: {  	_ =	shalt  }
0x86: {  	_ =	shalt  }
0x87: {  	_ =	shalt  }
.Lfunc_end0:
.L_simem_size_0:
called_computation_lowered:
.L_overlay_start_0:
0x88: {  	s2 =	sld [smem:$0x3FD9]  }
0x89: {  	s3 =	sld [smem:$0x3FFE];
	_ =	sdelay $0x1  }
0x8a: {  	s1 =	srdreg.scid  }
0x8b: {  	s0 =	sand.u32 $0x1, s1  }
0x8c: {  	s17 =	sshll.u32 s0, $0xA;
	s2 =	sadd.s32 s3, s2  }
0x8d: {  	s2 =	sadd.s32 s2, s17  }
0x8e: {  	[smem:$0x3FC0] =	sst s2  }
0x8f: {  	_ = 	snop  }
0x90: {  	s2 =	sld [smem:$0x3FD0];
	(tm) =	ssettm $0x1  }
0x91: {  	s18 =	sld [smem:$0x3FFB];
	_ =	sdelay $0x3  }
0x92: {  	_ =	strace s18  }
0x93: {  	s3 =	sld [smem:$0x3FFC];
	_ =	sdelay $0x3  }
0x94: {  	_ =	strace s3  }
0x95: {  	s3 =	sld [smem:$0x3FFD];
	_ =	sdelay $0x3  }
0x96: {  	_ =	strace s3  }
0x97: {  	_ =	strace $0x8FFFFFFF  }
0x98: {  	s19 =	sld [smem:$0x3FDB];
	_ =	sdelay $0x1  }
0x99: {  	s4 =	simm.s32 $_scs_section_size  }
0x9a: {  	s5 =	simm.s32 $_size__tile_overlayer_lowered;
	s6 =	simm.s32 $_tile_overlayer_lowered  }
0x9b: {  	s22 =	simm.s32 $0x1BFF;
	s21 =	sshll.u32 s6, $0x1;
	s3 =	sadd.s32 s4, s19  }
0x9c: {  	s7 =	simm.s32 $0x0;
	s20 =	sshll.u32 s5, $0x1;
	s5 =	sadd.s32 s21, s3  }
0x9d: {  	[timem:s7], [sflag:s22] =	dma.local [hbm:s5], s20  }
0x9e: {  	_ =	swait.ge [sflag:s22], s20  }
0x9f: {  	s4 =	ssub.s32 $0x0, s20;
	[sflag:s22] =	ssyncset.done $0x0  }
0xa0: {  	[sflag:s22] =	ssyncadd.s32 s4;
	_ =	sdelay $0x1  }
0xa1: {  	s23 =	simm.s32 $0x1B8B  }
0xa2: {  	_ =	swait.ge [sflag:s23], $0x1  }
0xa3: {  	[sflag:s23] =	ssyncset.done $0x0  }
0xa4: {  	s25 =	simm.s32 $0x1B8E;
	s24 =	sld [smem:$0x3FFE];
	[sflag:s23] =	ssyncadd.s32 $0xFFFFFFFF  }
0xa5: {  	s26 =	simm.s32 $execute0_lowered;
	[smem:$0x3FD2] =	sst s25  }
0xa6: {  	s5 =	sshll.u32 s26, $0x1;
	_ =	strace $0x80000046;
	[dreg:$0x1] =	wrdreg $0xFFFFFFFF  }
0xa7: {  	s28 =	simm.s32 $_size_execute0_lowered;
	s3 =	sadd.s32 s3, s5;
	[dreg:$0x0] =	wrdreg $0x0  }
0xa8: {  	s5 =	sshll.u32 s28, $0x1;
	[dreg:$0x2] =	wrdreg s3  }
0xa9: {  	[dreg:$0x3] =	wrdreg s5  }
0xaa: {  	[dreg:$0x4] =	wrdreg $0xC0  }
0xab: {  	_ =	task [dreg:s7], $0x5FFFF  }
0xac: {  	[dreg:$0x1] =	wrdreg $0xFFFFFFFF  }
0xad: {  	[dreg:$0x0] =	wrdreg $0x60  }
0xae: {  	[dreg:$0x2] =	wrdreg s24  }
0xaf: {  	[dreg:$0x3] =	wrdreg s2  }
0xb0: {  	[dreg:$0x4] =	wrdreg $0x0  }
0xb1: {  	[dreg:$0x5] =	wrdreg $0x9  }
0xb2: {  	_ =	task.clear_ibuf [dreg:s7], $0x6FFFF;
	_ =	strace $0x90000046  }
0xb3: {  	s29 =	simm.s32 $0x9;
	_ =	strace $0x80000048  }
0xb4: {  	_ =	swait.ge [sflag:s29], $0x1  }
0xb5: {  	[sflag:s29] =	ssyncadd.s32 $0xFFFFFFFF  }
0xb6: {  	_ =	strace $0x90000048  }
0xb7: {  	_ =	sfence  }
0xb8: {  	s30 =	sld [smem:$0x0];
	_ =	sdelay $0x2  }
0xb9: {  	s31 =	sshll.u32 s1, $0xD;
	s1 =	sshrl.u32 s1, $0x2  }
0xba: {  	s3 =	sand.u32 $0x4000, s31;
	s1 =	sadd.s32 s1, s30  }
0xbb: {  	s0 =	sor.u32 s3, s0;
	s1 =	sshll.u32 s1, $0x11  }
0xbc: {  	s0 =	sor.u32 s1, s0  }
0xbd: {  	s0 =	sadd.s32 $0x8F2B, s0  }
0xbe: {  	[sflag:s0] =	ssyncadd.remote.s32 $0x1  }
0xbf: {  	_ =	sfence.sel $0xFFFF  }
0xc0: {  	[dreg:$0x0] =	wrdreg $0xFFFFFFFF;
	(pc) =	sbr.abs _section_cstart, $3  }
0xc1: {  	[dreg:$0x1] =	wrdreg $0xFFFFFFFF  }
0xc2: {  	_ =	task.clear_ibuf [dreg:s7], $0x2FFFF;
	_ =	strace $0x9FFFFFFF  }
0xc3: {  	(tm) =	ssettm $0x7FFFFFFF  }
tec
execute0_lowered:
.L_overlay_start_1:
0x0: {  	(tag) =	ssettag $0x1  }
0x1: {  	s6 =	rddreg [dreg:$0x0]  }
0x2: {  	s2 =	rddreg [dreg:$0x1]  }
0x3: {  	s0 =	srdreg.scid;
	s3 =	rddreg [dreg:$0x2]  }
0x4: {  	s4 =	simm.s32 $0x0;
	s5 =	sand.u32 $0x1, s0;
	s0 =	stileid.u32  }
0x5: {  	s14 =	simm.s32 $0x80;
	s15 =	simm.s32 $0x0;
	s8 =	smul.u32 $0x2720, s0  }
0x6: {  	[smem:$0x7FF] =	sst s4;
	s1 =	sshll.u32 s5, $0x4;
	s9 =	smul.u32 $0x28000, s5  }
0x7: {  	s5 =	ssub.s32 $0x2, s5;
	s12 =	sshll.u32 s0, $0x6;
	s1 =	sor.u32 s0, s1  }
0x8: {  	s11 =	sshrl.u32 s5, $0x1;
	s12 =	sor.u32 $0x1C01, s12;
	s7 =	smul.u32 $0x500, s1  }
0x9: {  	s1 =	rddreg [dreg:$0x3];
	_ =	strace $0x80000047;
	s10 =	sshrl.u32 s8, $0x3  }
0xa: {  	s9 =	sadd.s32 s8, s9;
	s11 =	ssub.s32 s5, s11;
	s13 =	sadd.s32 s8, s3  }
0xb: {  	s10 =	sadd.s32 s10, s6;
	s9 =	sshrl.u32 s9, $0x3;
	s8 =	smax.u32 s11, $0x1  }
0xc: {  	s11 =	simm.s32 $0x4F20;
	s13 =	sshrl.u32 s13, $0x3;
	s7 =	sadd.s32 s7, s6  }
0xd: {  	s9 =	sadd.s32 s9, s6;
	s6 =	sadd.s32 $0xC400, s10;
	s10 =	simm.s32 $0x1  }
0xe: {  	s5 =	sadd.s32 $0x2400, s7;
	s7 =	sadd.s32 $0x11400, s9;
	s9 =	simm.s32 $0x2720  }
.LBB2_1:
0xf: {  	[tilespmem:s9], [sflag:$0x1] =	stream.linear.gather [hbm4b:s5+s4], $0x2800, $0x38;
	[tilespmem:$0x5720] =	vst v63  }
0x10: {  	_ =	swait.ge [sflag:s10], $0x2800  }
0x11: {  	[sflag:s10] =	ssyncset.done $0x0  }
0x12: {  	[sflag:s10] =	ssyncadd.s32 $0xFFFFD800  }
0x13: {  	[tilespmem:s11], [sflag:$0x1] =	stream.linear.gather [hbm4b:s2+s4], $0x800, $0x38;
	[tilespmem:$0x5720] =	vst v63  }
0x14: {  	_ =	swait.ge [sflag:s10], $0x800  }
0x15: {  	[sflag:s10] =	ssyncset.done $0x0  }
0x16: {  	[sflag:s10] =	ssyncadd.s32 $0xFFFFF800  }
0x17: {  	[spmem:s13], [sflag:s12] =	dma.local [hbm:s6], $0x4E4  }
0x18: {  	_ =	swait.ge [sflag:s10], $0x4E4  }
0x19: {  	[sflag:s10] =	ssyncset.done $0x0  }
0x1a: {  	[sflag:s10] =	ssyncadd.s32 $0xFFFFFB1C  }
0x1b: {  	[bflag:$0x0] =	sbarrier.arrive $0xFFFF  }
0x1c: {  	s16 =	simm.s32 $0x2720;
	[bflag:$0x0] =	sbarrier.arrive $0xFFFF  }
0x1d: {  	[spmem:s3] =	stream.indirect.scatter.add.f32 [tilespmem:s11], [sflag:$0x1], $0x10, s16, s14, $0xb8;
	[tilespmem:$0x5720] =	vst v63  }
0x1e: {  	s16 =	simm.s32 $0x200;
	_ =	swait.ge [sflag:s10], $0x800  }
.LBB2_2:
0x1f: {  	s17 =	sshra.s32 s16, $0x2;
	[sflag:s10] =	ssyncset.done $0x0;
	p0 =	sne.s32 s16, $0x9E00  }
.Ltmp0:
0x20: {  	s17 =	sadd.s32 $0x2720, s17;
	[sflag:s10] =	ssyncadd.s32 $0xFFFFF800;
	(pc) =	sbr.rel @p0 .LBB2_2-.Ltmp0, $3  }
0x21: {  	[spmem:s3] =	stream.indirect.scatter.add.f32 [tilespmem:s11], [sflag:$0x1], $0x10, s17, s14, $0xb8;
	[tilespmem:$0x5720] =	vst v63  }
0x22: {  	s16 =	sadd.s32 $0x200, s16;
	_ =	sdelay $0x1  }
0x23: {  	_ =	swait.ge [sflag:s10], $0x800  }
0x24: {  	[sflag:s10] =	ssyncset.done $0x0  }
0x25: {  	s15 =	sadd.s32 $0x1, s15;
	[sflag:s10] =	ssyncadd.s32 $0xFFFFF800  }
0x26: {  	p0 =	sne.s32 s15, s8;
	[bflag:$0x0] =	sbarrier.arrive $0xFFFF  }
.Ltmp1:
0x27: {  	[bflag:$0x0] =	sbarrier.arrive $0xFFFF;
	(pc) =	sbr.rel @p0 .LBB2_1-.Ltmp1, $4  }
0x28: {  	[hbm:s7], [sflag:s12] =	dma.local [spmem:s13], $0x4E4  }
0x29: {  	_ =	swait.ge [sflag:s10], $0x4E4  }
0x2a: {  	[sflag:s10] =	ssyncset.done $0x0  }
0x2b: {  	[sflag:s10] =	ssyncadd.s32 $0xFFFFFB1C  }
0x2c: {  	_ =	sfence.sel $0x180000  }
0x2d: {  	[bflag:$0x0] =	sbarrier.arrive $0xFFFF  }
0x2e: {  	p0 =	sne.s32 s0, $0x0;
	_ =	strace $0x90000047  }
0x2f: {  	s0 =	sadd.s32 @!p0 $0x100000, s1;
	[bflag:$0x2] =	sbarrier.arrive $0xFFFF  }
0x30: {  	[sflag:s0] =	ssyncadd.tile.s32 @!p0 $0x1;
	_ =	shalt  }
.Lfunc_end2:
_tile_overlayer_lowered:
.L_overlay_start_2:
0x31: {  	(tag) =	ssettag $0x2  }
0x32: {  	s0 =	rddreg [dreg:$0x0];
	s2 =	stileid.u32  }
0x33: {  	s1 =	rddreg [dreg:$0x1];
	p0 =	sne.s32 s2, $0x0  }
0x34: {  	s3 =	rddreg [dreg:$0x2];
	[bflag:$0x3] =	sbarrier.arrive $0xFFFF;
	s2 =	simm.s32 @!p0 $0x1C01  }
0x35: {  	[timem:s3], [sflag:s2] =	dma.local @!p0 [hbm:s0], s1  }
0x36: {  	s0 =	simm.s32 @!p0 $0x1  }
0x37: {  	_ =	swait.ge @!p0 [sflag:s0], s1  }
0x38: {  	s1 =	ssub.s32 @!p0 $0x0, s1;
	[sflag:s0] =	ssyncset.done @!p0 $0x0  }
0x39: {  	[sflag:s0] =	ssyncadd.s32 @!p0 s1  }
0x3a: {  	[bflag:$0x3] =	sbarrier.arrive $0xFFFF  }
0x3b: {  	_ =	shalt  }

</sc_bundles>
